<compile_context>
chip_gen: v7x
topology: tpu7x:2x2x1
jax: 0.10.2.dev20260603
libtpu: 0.0.44.dev20260713+nightly
codegen_flags: <defaults>
</compile_context>

<pallas_src>
import functools

import jax
import jax.numpy as jnp
from jax import lax
from jax.experimental import pallas as pl
from jax.experimental.pallas import tpu as pltpu
from jax.experimental.pallas import tpu_sc as plsc

_N = 10000
_E = 320000
_D = 128
_H = 64

_C = 128
_NCH = _E // _C
_NW = 32
_CH_PER_W = _NCH // _NW
_NPAIR = (_CH_PER_W + 2) // 2
_NPAD = 10240

_MESH = plsc.VectorSubcoreMesh(core_axis_name="c", subcore_axis_name="s")


def _edge_mm_body(b_ref, w_ref, bias_ref, o_ref):
    o_ref[...] = (
        jnp.dot(b_ref[...], w_ref[...], preferred_element_type=jnp.float32)
        + bias_ref[...]
    )


def _edge_mm(bond_feats, w_edge_t, b_edge):
    be = 16000
    return pl.pallas_call(
        _edge_mm_body,
        grid=(_E // be,),
        in_specs=[
            pl.BlockSpec((be, _H), lambda i: (i, 0)),
            pl.BlockSpec((_H, _D), lambda i: (0, 0)),
            pl.BlockSpec((1, _D), lambda i: (0, 0)),
        ],
        out_specs=pl.BlockSpec((be, _D), lambda i: (i, 0)),
        out_shape=jax.ShapeDtypeStruct((_E, _D), jnp.float32),
    )(bond_feats, w_edge_t, b_edge.reshape(1, _D))


def _zero_rows(rows_ref):
    zero16 = jnp.zeros((16,), jnp.float32)

    def zrow(i, carry):
        for j in range(_D // 16):
            rows_ref[i, pl.ds(j * 16, 16)] = zero16
        return carry
    lax.fori_loop(0, _C, zrow, 0)


def _prologue(t, rows_v, acc_s):
    _zero_rows(rows_v.at[0])
    row0 = t * 640
    for q in range(5):
        pltpu.sync_copy(rows_v.at[0], acc_s.at[pl.ds(row0 + q * 128, 128)])
    plsc.subcore_barrier()
    return row0


def _epilogue(c, row0, rows_v, dst_v, acc_s, ssems, out):
    for b in (0, 1):
        pltpu.make_async_copy(
            rows_v.at[b], acc_s.at[dst_v.at[b]], ssems[b]).wait()
    plsc.subcore_barrier()
    for q in range(5):
        pltpu.sync_copy(acc_s.at[pl.ds(row0 + q * 128, 128)],
                        out.at[c, pl.ds(row0 + q * 128, 128)])


@functools.partial(
    pl.kernel,
    out_type=jax.ShapeDtypeStruct((2, _NPAD, _D), jnp.float32),
    mesh=_MESH,
    scratch_types=[
        pltpu.VMEM((2, _C), jnp.int32),
        pltpu.VMEM((2, _C), jnp.int32),
        pltpu.VMEM((2, _C, _D), jnp.float32),
        pltpu.VMEM_SHARED((_NPAD, _D), jnp.float32),
        pltpu.SemaphoreType.DMA,
        pltpu.SemaphoreType.DMA,
        pltpu.SemaphoreType.DMA,
        pltpu.SemaphoreType.DMA,
        pltpu.SemaphoreType.DMA,
    ],
)
def _sc_node_seg_sum(node_hbm, src_hbm, dst_hbm, out,
                     src_v, dst_v, rows_v, acc_s,
                     isem, gsem0, gsem1, ssem0, ssem1):
    gsems = (gsem0, gsem1)
    ssems = (ssem0, ssem1)
    c = lax.axis_index("c")
    t = lax.axis_index("s")
    wid = t * 2 + c
    row0 = _prologue(t, rows_v, acc_s)
    ng = jnp.where(wid < _NCH % _NW, _CH_PER_W + 1, _CH_PER_W)

    def pair(gg, carry):
        for b in (0, 1):
            g = gg * 2 + b
            pb = 1 - b

            @pl.when(g < ng)
            def _prefetch():
                base = (g * _NW + wid) * _C

                @pl.when(g >= 2)
                def _drain():
                    pltpu.make_async_copy(
                        rows_v.at[b], acc_s.at[dst_v.at[b]],
                        ssems[b]).wait()
                cp_d = pltpu.async_copy(
                    dst_hbm.at[pl.ds(base, _C)], dst_v.at[b], isem)
                cp_s = pltpu.async_copy(
                    src_hbm.at[pl.ds(base, _C)], src_v.at[b], isem)
                cp_s.wait()
                cp_d.wait()
                pltpu.async_copy(
                    node_hbm.at[src_v.at[b]], rows_v.at[b], gsems[b])

            @pl.when(jnp.logical_and(g >= 1, g - 1 < ng))
            def _process():
                pltpu.make_async_copy(
                    node_hbm.at[src_v.at[pb]], rows_v.at[pb],
                    gsems[pb]).wait()
                pltpu.async_copy(
                    rows_v.at[pb], acc_s.at[dst_v.at[pb]], ssems[pb],
                    add=True)
        return carry
    lax.fori_loop(0, (_CH_PER_W + 1 + 2) // 2, pair, 0)

    _epilogue(c, row0, rows_v, dst_v, acc_s, ssems, out)


@functools.partial(
    pl.kernel,
    out_type=jax.ShapeDtypeStruct((2, _NPAD, _D), jnp.float32),
    mesh=_MESH,
    scratch_types=[
        pltpu.VMEM((2, _C), jnp.int32),
        pltpu.VMEM((2, _C, _D), jnp.float32),
        pltpu.VMEM_SHARED((_NPAD, _D), jnp.float32),
        pltpu.SemaphoreType.DMA,
        pltpu.SemaphoreType.DMA,
        pltpu.SemaphoreType.DMA,
        pltpu.SemaphoreType.DMA,
    ],
)
def _sc_e_seg_sum(e_hbm, dst_hbm, out,
                  dst_v, rows_v, acc_s, lsem0, lsem1, ssem0, ssem1):
    lsems = (lsem0, lsem1)
    ssems = (ssem0, ssem1)
    c = lax.axis_index("c")
    t = lax.axis_index("s")
    wid = t * 2 + c
    row0 = _prologue(t, rows_v, acc_s)
    ng = jnp.where(wid < _NCH % _NW, _CH_PER_W + 1, _CH_PER_W)

    def pair(gg, carry):
        for b in (0, 1):
            g = gg * 2 + b
            pb = 1 - b

            @pl.when(g < ng)
            def _prefetch():
                base = (g * _NW + wid) * _C

                @pl.when(g >= 2)
                def _drain():
                    pltpu.make_async_copy(
                        rows_v.at[b], acc_s.at[dst_v.at[b]],
                        ssems[b]).wait()
                pltpu.sync_copy(dst_hbm.at[pl.ds(base, _C)], dst_v.at[b])
                pltpu.async_copy(
                    e_hbm.at[pl.ds(base, _C)], rows_v.at[b], lsems[b])

            @pl.when(jnp.logical_and(g >= 1, g - 1 < ng))
            def _process():
                gp = g - 1
                basep = (gp * _NW + wid) * _C
                pltpu.make_async_copy(
                    e_hbm.at[pl.ds(basep, _C)], rows_v.at[pb],
                    lsems[pb]).wait()
                pltpu.async_copy(
                    rows_v.at[pb], acc_s.at[dst_v.at[pb]], ssems[pb],
                    add=True)
        return carry
    lax.fori_loop(0, (_CH_PER_W + 1 + 2) // 2, pair, 0)

    _epilogue(c, row0, rows_v, dst_v, acc_s, ssems, out)


def _final_body(aggn_ref, agge_ref, wf_ref, bf_ref, o_ref):
    agg = (aggn_ref[0] + aggn_ref[1]) + (agge_ref[0] + agge_ref[1])
    h = (jnp.dot(agg, wf_ref[...], preferred_element_type=jnp.float32)
         + bf_ref[...])
    o_ref[...] = h * jax.nn.sigmoid(h)


def _final_mm(aggn, agge, w_fc_t, b_fc):
    bn = 2000
    return pl.pallas_call(
        _final_body,
        grid=(_N // bn,),
        in_specs=[
            pl.BlockSpec((2, bn, _D), lambda i: (0, i, 0)),
            pl.BlockSpec((2, bn, _D), lambda i: (0, i, 0)),
            pl.BlockSpec((_D, _D), lambda i: (0, 0)),
            pl.BlockSpec((1, _D), lambda i: (0, 0)),
        ],
        out_specs=pl.BlockSpec((bn, _D), lambda i: (i, 0)),
        out_shape=jax.ShapeDtypeStruct((_N, _D), jnp.float32),
    )(aggn, agge, w_fc_t, b_fc.reshape(1, _D))


def kernel(node_feats, edge_index, bond_feats, W_edge, b_edge, W_fc, b_fc):
    src = edge_index[0]
    dst = edge_index[1]
    aggn = _sc_node_seg_sum(node_feats, src, dst)
    e = _edge_mm(bond_feats, W_edge.T, b_edge)
    agge = _sc_e_seg_sum(e, dst)
    out = _final_mm(aggn, agge, W_fc.T, b_fc)
    return (out, e)

# --- scband reference (transcript-rebuilt; emitter-appended) ---
"""Pipeline reference for scband-graph-conv-60447369724150 (READ-ONLY COPY).

The authoritative reference and input builder live on the scoring server;
editing this copy changes nothing except your own understanding.
"""

import jax, jax.numpy as jnp
import numpy as np

N = 10000
E = 320000
D = 128
H = 64

def setup_inputs(seed: int = 0) -> dict:
    key = jax.random.key(seed)
    ks = jax.random.split(key, 7)
    node_feats = jax.random.normal(ks[0], (N, D), dtype=jnp.float32)
    edge_index = jax.random.randint(ks[1], (2, E), 0, N, dtype=jnp.int32)
    bond_feats = jax.random.normal(ks[2], (E, H), dtype=jnp.float32)
    # edge_transform: Linear(hidden_features=64 -> out_feats=128)
    W_edge = jax.random.normal(ks[3], (D, H), dtype=jnp.float32) * 0.05
    b_edge = jnp.zeros((D,), dtype=jnp.float32)
    # fc: Linear(in_feats=128 -> out_feats=128)
    W_fc = jax.random.normal(ks[4], (D, D), dtype=jnp.float32) * 0.05
    b_fc = jnp.zeros((D,), dtype=jnp.float32)
    return {"node_feats": node_feats, "edge_index": edge_index, "bond_feats": bond_feats,
            "W_edge": W_edge, "b_edge": b_edge, "W_fc": W_fc, "b_fc": b_fc}

def reference(node_feats, edge_index, bond_feats, W_edge, b_edge, W_fc, b_fc):
    # bond_feats = self.edge_transform(bond_feats)
    e = bond_feats @ W_edge.T + b_edge  # [E, D]
    src = edge_index[0]
    dst = edge_index[1]
    # message: m = u_add_e -> h[src] + e ; reduce: sum over incoming edges at dst
    m = node_feats[src] + e  # gather over src nodes
    agg = jax.ops.segment_sum(m, dst, num_segments=N)  # scatter-add by dst
    # node_feats = self.fc(agg)
    h = agg @ W_fc.T + b_fc
    # activation = SiLU
    return (jax.nn.silu(h), e)

if __name__ == "__main__":
    import jax
    _d = setup_inputs()
    print(jax.jit(kernel)(*tuple(_d.values())))

</pallas_src>

<mosaic_0001>
#map = affine_map<(d0, d1) -> (0, 0)>
#map1 = affine_map<(d0, d1) -> (0)>
#map2 = affine_map<(d0, d1) -> (0, 0, 0)>
module attributes {stable_mosaic.version = 14 : i64} {
  func.func @_sc_e_seg_sum(%arg0: i32, %arg1: i32, %arg2: memref<320000x128xf32, #tpu.memory_space<hbm>>, %arg3: memref<320000xi32, #tpu.memory_space<hbm>>, %arg4: memref<2x10240x128xf32, #tpu.memory_space<hbm>>, %arg5: memref<2x128xi32, #tpu.memory_space<vmem>>, %arg6: memref<2x128x128xf32, #tpu.memory_space<vmem>>, %arg7: memref<10240x128xf32, #tpu.memory_space<vmem_shared>>, %arg8: memref<!tpu.dma_semaphore, #tpu.memory_space<semaphore_mem>>, %arg9: memref<!tpu.dma_semaphore, #tpu.memory_space<semaphore_mem>>, %arg10: memref<!tpu.dma_semaphore, #tpu.memory_space<semaphore_mem>>, %arg11: memref<!tpu.dma_semaphore, #tpu.memory_space<semaphore_mem>>) attributes {dimension_semantics = [#tpu.dimension_semantics<core_parallel>, #tpu.dimension_semantics<subcore_parallel>], iteration_bounds = array<i64: 2, 16>, scalar_prefetch = 0 : i64, scratch_operands = 7 : i64, tpu.core_type = #tpu.core_type<sc_vector_subcore>, window_params = [{transform_indices = #map}, {transform_indices = #map1}, {transform_indices = #map2}]} {
    %mul3A = arith.constant 2 : i32
    %mul3A_0 = arith.muli %arg1, %mul3A : i32
    %add3A = arith.addi %mul3A_0, %arg0 : i32
    %broadcast_in_dim3A = arith.constant 0.000000e+00 : f32
    %broadcast_in_dim3A_1 = vector.broadcast %broadcast_in_dim3A : f32 to vector<16xf32>
    %scan3A = arith.constant 0 : i32
    %scan3A_2 = arith.constant 0 : i32
    %scan3A_3 = arith.constant 0 : i32
    %scan3A_4 = arith.constant 128 : i32
    %scan3A_5 = arith.addi %scan3A_3, %scan3A_4 : i32
    %scan3A_6 = arith.constant 1 : i32
    scf.for %scan3A_76 = %scan3A_3 to %scan3A_5 step %scan3A_6  : i32 {
      %swap3A = arith.constant 0 : i32
      %swap3A_77 = arith.constant 0 : i32
      %swap3A_78 = tpu.memref_slice %arg6[%scan3A_2, %swap3A, %swap3A_77] : memref<2x128x128xf32, #tpu.memory_space<vmem>> -> memref<1x128x128xf32, #tpu.memory_space<vmem>>
      %swap3A_79 = tpu.memref_squeeze %swap3A_78 : memref<1x128x128xf32, #tpu.memory_space<vmem>> -> memref<128x128xf32, #tpu.memory_space<vmem>>
      %swap3A_80 = arith.index_cast %scan3A_76 : i32 to index
      %swap3A_81 = arith.constant 0 : index
      %swap3A_82 = tpu.vector_load %swap3A_79[%swap3A_80, %swap3A_81] {strides = array<i32>} : memref<128x128xf32, #tpu.memory_space<vmem>>, vector<1x16xf32>,
      %swap3A_83 = vector.shape_cast %swap3A_82 : vector<1x16xf32> to vector<16xf32>
      %swap3A_84 = vector.shape_cast %broadcast_in_dim3A_1 : vector<16xf32> to vector<1x16xf32>
      tpu.vector_store %swap3A_79[%swap3A_80, %swap3A_81], %swap3A_84 {strides = array<i32>} : memref<128x128xf32, #tpu.memory_space<vmem>>, vector<1x16xf32>,
      %swap3A_85 = arith.constant 0 : i32
      %swap3A_86 = arith.constant 0 : i32
      %swap3A_87 = tpu.memref_slice %arg6[%scan3A_2, %swap3A_85, %swap3A_86] : memref<2x128x128xf32, #tpu.memory_space<vmem>> -> memref<1x128x128xf32, #tpu.memory_space<vmem>>
      %swap3A_88 = tpu.memref_squeeze %swap3A_87 : memref<1x128x128xf32, #tpu.memory_space<vmem>> -> memref<128x128xf32, #tpu.memory_space<vmem>>
      %swap3A_89 = arith.index_cast %scan3A_76 : i32 to index
      %swap3A_90 = arith.constant 16 : index
      %swap3A_91 = tpu.vector_load %swap3A_88[%swap3A_89, %swap3A_90] {strides = array<i32>} : memref<128x128xf32, #tpu.memory_space<vmem>>, vector<1x16xf32>,
      %swap3A_92 = vector.shape_cast %swap3A_91 : vector<1x16xf32> to vector<16xf32>
      %swap3A_93 = vector.shape_cast %broadcast_in_dim3A_1 : vector<16xf32> to vector<1x16xf32>
      tpu.vector_store %swap3A_88[%swap3A_89, %swap3A_90], %swap3A_93 {strides = array<i32>} : memref<128x128xf32, #tpu.memory_space<vmem>>, vector<1x16xf32>,
      %swap3A_94 = arith.constant 0 : i32
      %swap3A_95 = arith.constant 0 : i32
      %swap3A_96 = tpu.memref_slice %arg6[%scan3A_2, %swap3A_94, %swap3A_95] : memref<2x128x128xf32, #tpu.memory_space<vmem>> -> memref<1x128x128xf32, #tpu.memory_space<vmem>>
      %swap3A_97 = tpu.memref_squeeze %swap3A_96 : memref<1x128x128xf32, #tpu.memory_space<vmem>> -> memref<128x128xf32, #tpu.memory_space<vmem>>
      %swap3A_98 = arith.index_cast %scan3A_76 : i32 to index
      %swap3A_99 = arith.constant 32 : index
      %swap3A_100 = tpu.vector_load %swap3A_97[%swap3A_98, %swap3A_99] {strides = array<i32>} : memref<128x128xf32, #tpu.memory_space<vmem>>, vector<1x16xf32>,
      %swap3A_101 = vector.shape_cast %swap3A_100 : vector<1x16xf32> to vector<16xf32>
      %swap3A_102 = vector.shape_cast %broadcast_in_dim3A_1 : vector<16xf32> to vector<1x16xf32>
      tpu.vector_store %swap3A_97[%swap3A_98, %swap3A_99], %swap3A_102 {strides = array<i32>} : memref<128x128xf32, #tpu.memory_space<vmem>>, vector<1x16xf32>,
      %swap3A_103 = arith.constant 0 : i32
      %swap3A_104 = arith.constant 0 : i32
      %swap3A_105 = tpu.memref_slice %arg6[%scan3A_2, %swap3A_103, %swap3A_104] : memref<2x128x128xf32, #tpu.memory_space<vmem>> -> memref<1x128x128xf32, #tpu.memory_space<vmem>>
      %swap3A_106 = tpu.memref_squeeze %swap3A_105 : memref<1x128x128xf32, #tpu.memory_space<vmem>> -> memref<128x128xf32, #tpu.memory_space<vmem>>
      %swap3A_107 = arith.index_cast %scan3A_76 : i32 to index
      %swap3A_108 = arith.constant 48 : index
      %swap3A_109 = tpu.vector_load %swap3A_106[%swap3A_107, %swap3A_108] {strides = array<i32>} : memref<128x128xf32, #tpu.memory_space<vmem>>, vector<1x16xf32>,
      %swap3A_110 = vector.shape_cast %swap3A_109 : vector<1x16xf32> to vector<16xf32>
      %swap3A_111 = vector.shape_cast %broadcast_in_dim3A_1 : vector<16xf32> to vector<1x16xf32>
      tpu.vector_store %swap3A_106[%swap3A_107, %swap3A_108], %swap3A_111 {strides = array<i32>} : memref<128x128xf32, #tpu.memory_space<vmem>>, vector<1x16xf32>,
      %swap3A_112 = arith.constant 0 : i32
      %swap3A_113 = arith.constant 0 : i32
      %swap3A_114 = tpu.memref_slice %arg6[%scan3A_2, %swap3A_112, %swap3A_113] : memref<2x128x128xf32, #tpu.memory_space<vmem>> -> memref<1x128x128xf32, #tpu.memory_space<vmem>>
      %swap3A_115 = tpu.memref_squeeze %swap3A_114 : memref<1x128x128xf32, #tpu.memory_space<vmem>> -> memref<128x128xf32, #tpu.memory_space<vmem>>
      %swap3A_116 = arith.index_cast %scan3A_76 : i32 to index
      %swap3A_117 = arith.constant 64 : index
      %swap3A_118 = tpu.vector_load %swap3A_115[%swap3A_116, %swap3A_117] {strides = array<i32>} : memref<128x128xf32, #tpu.memory_space<vmem>>, vector<1x16xf32>,
      %swap3A_119 = vector.shape_cast %swap3A_118 : vector<1x16xf32> to vector<16xf32>
      %swap3A_120 = vector.shape_cast %broadcast_in_dim3A_1 : vector<16xf32> to vector<1x16xf32>
      tpu.vector_store %swap3A_115[%swap3A_116, %swap3A_117], %swap3A_120 {strides = array<i32>} : memref<128x128xf32, #tpu.memory_space<vmem>>, vector<1x16xf32>,
      %swap3A_121 = arith.constant 0 : i32
      %swap3A_122 = arith.constant 0 : i32
      %swap3A_123 = tpu.memref_slice %arg6[%scan3A_2, %swap3A_121, %swap3A_122] : memref<2x128x128xf32, #tpu.memory_space<vmem>> -> memref<1x128x128xf32, #tpu.memory_space<vmem>>
      %swap3A_124 = tpu.memref_squeeze %swap3A_123 : memref<1x128x128xf32, #tpu.memory_space<vmem>> -> memref<128x128xf32, #tpu.memory_space<vmem>>
      %swap3A_125 = arith.index_cast %scan3A_76 : i32 to index
      %swap3A_126 = arith.constant 80 : index
      %swap3A_127 = tpu.vector_load %swap3A_124[%swap3A_125, %swap3A_126] {strides = array<i32>} : memref<128x128xf32, #tpu.memory_space<vmem>>, vector<1x16xf32>,
      %swap3A_128 = vector.shape_cast %swap3A_127 : vector<1x16xf32> to vector<16xf32>
      %swap3A_129 = vector.shape_cast %broadcast_in_dim3A_1 : vector<16xf32> to vector<1x16xf32>
      tpu.vector_store %swap3A_124[%swap3A_125, %swap3A_126], %swap3A_129 {strides = array<i32>} : memref<128x128xf32, #tpu.memory_space<vmem>>, vector<1x16xf32>,
      %swap3A_130 = arith.constant 0 : i32
      %swap3A_131 = arith.constant 0 : i32
      %swap3A_132 = tpu.memref_slice %arg6[%scan3A_2, %swap3A_130, %swap3A_131] : memref<2x128x128xf32, #tpu.memory_space<vmem>> -> memref<1x128x128xf32, #tpu.memory_space<vmem>>
      %swap3A_133 = tpu.memref_squeeze %swap3A_132 : memref<1x128x128xf32, #tpu.memory_space<vmem>> -> memref<128x128xf32, #tpu.memory_space<vmem>>
      %swap3A_134 = arith.index_cast %scan3A_76 : i32 to index
      %swap3A_135 = arith.constant 96 : index
      %swap3A_136 = tpu.vector_load %swap3A_133[%swap3A_134, %swap3A_135] {strides = array<i32>} : memref<128x128xf32, #tpu.memory_space<vmem>>, vector<1x16xf32>,
      %swap3A_137 = vector.shape_cast %swap3A_136 : vector<1x16xf32> to vector<16xf32>
      %swap3A_138 = vector.shape_cast %broadcast_in_dim3A_1 : vector<16xf32> to vector<1x16xf32>
      tpu.vector_store %swap3A_133[%swap3A_134, %swap3A_135], %swap3A_138 {strides = array<i32>} : memref<128x128xf32, #tpu.memory_space<vmem>>, vector<1x16xf32>,
      %swap3A_139 = arith.constant 0 : i32
      %swap3A_140 = arith.constant 0 : i32
      %swap3A_141 = tpu.memref_slice %arg6[%scan3A_2, %swap3A_139, %swap3A_140] : memref<2x128x128xf32, #tpu.memory_space<vmem>> -> memref<1x128x128xf32, #tpu.memory_space<vmem>>
      %swap3A_142 = tpu.memref_squeeze %swap3A_141 : memref<1x128x128xf32, #tpu.memory_space<vmem>> -> memref<128x128xf32, #tpu.memory_space<vmem>>
      %swap3A_143 = arith.index_cast %scan3A_76 : i32 to index
      %swap3A_144 = arith.constant 112 : index
      %swap3A_145 = tpu.vector_load %swap3A_142[%swap3A_143, %swap3A_144] {strides = array<i32>} : memref<128x128xf32, #tpu.memory_space<vmem>>, vector<1x16xf32>,
      %swap3A_146 = vector.shape_cast %swap3A_145 : vector<1x16xf32> to vector<16xf32>
      %swap3A_147 = vector.shape_cast %broadcast_in_dim3A_1 : vector<16xf32> to vector<1x16xf32>
      tpu.vector_store %swap3A_142[%swap3A_143, %swap3A_144], %swap3A_147 {strides = array<i32>} : memref<128x128xf32, #tpu.memory_space<vmem>>, vector<1x16xf32>,
    }
    %scan3A_7 = arith.constant 128 : i32
    %mul3A_8 = arith.constant 640 : i32
    %mul3A_9 = arith.muli %arg1, %mul3A_8 : i32
    %add3A_10 = arith.constant 0 : i32
    %add3A_11 = arith.addi %mul3A_9, %add3A_10 : i32
    %run_scoped3A = arith.constant 0 : i32
    "tpu.region"() ({
      %run_scoped3A_76 = tpu.sem_alloc : memref<!tpu.dma_semaphore, #tpu.memory_space<semaphore_mem>>
      %dma_start3A = arith.constant 0 : i32
      %dma_start3A_77 = arith.constant 0 : i32
      %dma_start3A_78 = tpu.memref_slice %arg6[%run_scoped3A, %dma_start3A, %dma_start3A_77] : memref<2x128x128xf32, #tpu.memory_space<vmem>> -> memref<1x128x128xf32, #tpu.memory_space<vmem>>
      %dma_start3A_79 = tpu.memref_squeeze %dma_start3A_78 : memref<1x128x128xf32, #tpu.memory_space<vmem>> -> memref<128x128xf32, #tpu.memory_space<vmem>>
      %dma_start3A_80 = arith.constant 0 : i32
      %dma_start3A_81 = tpu.memref_slice %arg7[%add3A_11, %dma_start3A_80] : memref<10240x128xf32, #tpu.memory_space<vmem_shared>> -> memref<128x128xf32, #tpu.memory_space<vmem_shared>>
      %dma_start3A_82 = arith.constant 0 : i32
      %dma_start3A_83 = tpu.memref_slice %arg7[%add3A_11, %dma_start3A_82] : memref<10240x128xf32, #tpu.memory_space<vmem_shared>> -> memref<128x128xf32, #tpu.memory_space<vmem_shared>>
      %dma_start3A_84 = arith.constant 0 : i32
      %dma_start3A_85 = arith.constant 0 : i32
      %dma_start3A_86 = tpu.memref_slice %arg6[%run_scoped3A, %dma_start3A_84, %dma_start3A_85] : memref<2x128x128xf32, #tpu.memory_space<vmem>> -> memref<1x128x128xf32, #tpu.memory_space<vmem>>
      %dma_start3A_87 = tpu.memref_squeeze %dma_start3A_86 : memref<1x128x128xf32, #tpu.memory_space<vmem>> -> memref<128x128xf32, #tpu.memory_space<vmem>>
      tpu.enqueue_dma source(%dma_start3A_87 : memref<128x128xf32, #tpu.memory_space<vmem>>) target(%dma_start3A_83 : memref<128x128xf32, #tpu.memory_space<vmem_shared>>) target_semaphore(%run_scoped3A_76 : memref<!tpu.dma_semaphore, #tpu.memory_space<semaphore_mem>>)
      %dma_wait3A_88 = arith.constant 0 : i32
      %dma_wait3A_89 = arith.constant 0 : i32
      %dma_wait3A_90 = tpu.memref_slice %arg6[%run_scoped3A, %dma_wait3A_88, %dma_wait3A_89] : memref<2x128x128xf32, #tpu.memory_space<vmem>> -> memref<1x128x128xf32, #tpu.memory_space<vmem>>
      %dma_wait3A_91 = tpu.memref_squeeze %dma_wait3A_90 : memref<1x128x128xf32, #tpu.memory_space<vmem>> -> memref<128x128xf32, #tpu.memory_space<vmem>>
      %dma_wait3A_92 = arith.constant 0 : i32
      %dma_wait3A_93 = tpu.memref_slice %arg7[%add3A_11, %dma_wait3A_92] : memref<10240x128xf32, #tpu.memory_space<vmem_shared>> -> memref<128x128xf32, #tpu.memory_space<vmem_shared>>
      %dma_wait3A_94 = arith.constant 0 : i32
      %dma_wait3A_95 = tpu.memref_slice %arg7[%add3A_11, %dma_wait3A_94] : memref<10240x128xf32, #tpu.memory_space<vmem_shared>> -> memref<128x128xf32, #tpu.memory_space<vmem_shared>>
      %dma_wait3A_96 = arith.constant 0 : i32
      %dma_wait3A_97 = arith.constant 0 : i32
      %dma_wait3A_98 = tpu.memref_slice %arg6[%run_scoped3A, %dma_wait3A_96, %dma_wait3A_97] : memref<2x128x128xf32, #tpu.memory_space<vmem>> -> memref<1x128x128xf32, #tpu.memory_space<vmem>>
      %dma_wait3A_99 = tpu.memref_squeeze %dma_wait3A_98 : memref<1x128x128xf32, #tpu.memory_space<vmem>> -> memref<128x128xf32, #tpu.memory_space<vmem>>
      tpu.wait_dma2 semaphore(%run_scoped3A_76 : memref<!tpu.dma_semaphore, #tpu.memory_space<semaphore_mem>>) src(%dma_wait3A_99 : memref<128x128xf32, #tpu.memory_space<vmem>>) dst(%dma_wait3A_95 : memref<128x128xf32, #tpu.memory_space<vmem_shared>>)
      tpu.yield
    }) : () -> ()
    %add3A_12 = arith.constant 128 : i32
    %add3A_13 = arith.addi %mul3A_9, %add3A_12 : i32
    %run_scoped3A_14 = arith.constant 0 : i32
    "tpu.region"() ({
      %run_scoped3A_76 = tpu.sem_alloc : memref<!tpu.dma_semaphore, #tpu.memory_space<semaphore_mem>>
      %dma_start3A = arith.constant 0 : i32
      %dma_start3A_77 = arith.constant 0 : i32
      %dma_start3A_78 = tpu.memref_slice %arg6[%run_scoped3A_14, %dma_start3A, %dma_start3A_77] : memref<2x128x128xf32, #tpu.memory_space<vmem>> -> memref<1x128x128xf32, #tpu.memory_space<vmem>>
      %dma_start3A_79 = tpu.memref_squeeze %dma_start3A_78 : memref<1x128x128xf32, #tpu.memory_space<vmem>> -> memref<128x128xf32, #tpu.memory_space<vmem>>
      %dma_start3A_80 = arith.constant 0 : i32
      %dma_start3A_81 = tpu.memref_slice %arg7[%add3A_13, %dma_start3A_80] : memref<10240x128xf32, #tpu.memory_space<vmem_shared>> -> memref<128x128xf32, #tpu.memory_space<vmem_shared>>
      %dma_start3A_82 = arith.constant 0 : i32
      %dma_start3A_83 = tpu.memref_slice %arg7[%add3A_13, %dma_start3A_82] : memref<10240x128xf32, #tpu.memory_space<vmem_shared>> -> memref<128x128xf32, #tpu.memory_space<vmem_shared>>
      %dma_start3A_84 = arith.constant 0 : i32
      %dma_start3A_85 = arith.constant 0 : i32
      %dma_start3A_86 = tpu.memref_slice %arg6[%run_scoped3A_14, %dma_start3A_84, %dma_start3A_85] : memref<2x128x128xf32, #tpu.memory_space<vmem>> -> memref<1x128x128xf32, #tpu.memory_space<vmem>>
      %dma_start3A_87 = tpu.memref_squeeze %dma_start3A_86 : memref<1x128x128xf32, #tpu.memory_space<vmem>> -> memref<128x128xf32, #tpu.memory_space<vmem>>
      tpu.enqueue_dma source(%dma_start3A_87 : memref<128x128xf32, #tpu.memory_space<vmem>>) target(%dma_start3A_83 : memref<128x128xf32, #tpu.memory_space<vmem_shared>>) target_semaphore(%run_scoped3A_76 : memref<!tpu.dma_semaphore, #tpu.memory_space<semaphore_mem>>)
      %dma_wait3A_88 = arith.constant 0 : i32
      %dma_wait3A_89 = arith.constant 0 : i32
      %dma_wait3A_90 = tpu.memref_slice %arg6[%run_scoped3A_14, %dma_wait3A_88, %dma_wait3A_89] : memref<2x128x128xf32, #tpu.memory_space<vmem>> -> memref<1x128x128xf32, #tpu.memory_space<vmem>>
      %dma_wait3A_91 = tpu.memref_squeeze %dma_wait3A_90 : memref<1x128x128xf32, #tpu.memory_space<vmem>> -> memref<128x128xf32, #tpu.memory_space<vmem>>
      %dma_wait3A_92 = arith.constant 0 : i32
      %dma_wait3A_93 = tpu.memref_slice %arg7[%add3A_13, %dma_wait3A_92] : memref<10240x128xf32, #tpu.memory_space<vmem_shared>> -> memref<128x128xf32, #tpu.memory_space<vmem_shared>>
      %dma_wait3A_94 = arith.constant 0 : i32
      %dma_wait3A_95 = tpu.memref_slice %arg7[%add3A_13, %dma_wait3A_94] : memref<10240x128xf32, #tpu.memory_space<vmem_shared>> -> memref<128x128xf32, #tpu.memory_space<vmem_shared>>
      %dma_wait3A_96 = arith.constant 0 : i32
      %dma_wait3A_97 = arith.constant 0 : i32
      %dma_wait3A_98 = tpu.memref_slice %arg6[%run_scoped3A_14, %dma_wait3A_96, %dma_wait3A_97] : memref<2x128x128xf32, #tpu.memory_space<vmem>> -> memref<1x128x128xf32, #tpu.memory_space<vmem>>
      %dma_wait3A_99 = tpu.memref_squeeze %dma_wait3A_98 : memref<1x128x128xf32, #tpu.memory_space<vmem>> -> memref<128x128xf32, #tpu.memory_space<vmem>>
      tpu.wait_dma2 semaphore(%run_scoped3A_76 : memref<!tpu.dma_semaphore, #tpu.memory_space<semaphore_mem>>) src(%dma_wait3A_99 : memref<128x128xf32, #tpu.memory_space<vmem>>) dst(%dma_wait3A_95 : memref<128x128xf32, #tpu.memory_space<vmem_shared>>)
      tpu.yield
    }) : () -> ()
    %add3A_15 = arith.constant 256 : i32
    %add3A_16 = arith.addi %mul3A_9, %add3A_15 : i32
    %run_scoped3A_17 = arith.constant 0 : i32
    "tpu.region"() ({
      %run_scoped3A_76 = tpu.sem_alloc : memref<!tpu.dma_semaphore, #tpu.memory_space<semaphore_mem>>
      %dma_start3A = arith.constant 0 : i32
      %dma_start3A_77 = arith.constant 0 : i32
      %dma_start3A_78 = tpu.memref_slice %arg6[%run_scoped3A_17, %dma_start3A, %dma_start3A_77] : memref<2x128x128xf32, #tpu.memory_space<vmem>> -> memref<1x128x128xf32, #tpu.memory_space<vmem>>
      %dma_start3A_79 = tpu.memref_squeeze %dma_start3A_78 : memref<1x128x128xf32, #tpu.memory_space<vmem>> -> memref<128x128xf32, #tpu.memory_space<vmem>>
      %dma_start3A_80 = arith.constant 0 : i32
      %dma_start3A_81 = tpu.memref_slice %arg7[%add3A_16, %dma_start3A_80] : memref<10240x128xf32, #tpu.memory_space<vmem_shared>> -> memref<128x128xf32, #tpu.memory_space<vmem_shared>>
      %dma_start3A_82 = arith.constant 0 : i32
      %dma_start3A_83 = tpu.memref_slice %arg7[%add3A_16, %dma_start3A_82] : memref<10240x128xf32, #tpu.memory_space<vmem_shared>> -> memref<128x128xf32, #tpu.memory_space<vmem_shared>>
      %dma_start3A_84 = arith.constant 0 : i32
      %dma_start3A_85 = arith.constant 0 : i32
      %dma_start3A_86 = tpu.memref_slice %arg6[%run_scoped3A_17, %dma_start3A_84, %dma_start3A_85] : memref<2x128x128xf32, #tpu.memory_space<vmem>> -> memref<1x128x128xf32, #tpu.memory_space<vmem>>
      %dma_start3A_87 = tpu.memref_squeeze %dma_start3A_86 : memref<1x128x128xf32, #tpu.memory_space<vmem>> -> memref<128x128xf32, #tpu.memory_space<vmem>>
      tpu.enqueue_dma source(%dma_start3A_87 : memref<128x128xf32, #tpu.memory_space<vmem>>) target(%dma_start3A_83 : memref<128x128xf32, #tpu.memory_space<vmem_shared>>) target_semaphore(%run_scoped3A_76 : memref<!tpu.dma_semaphore, #tpu.memory_space<semaphore_mem>>)
      %dma_wait3A_88 = arith.constant 0 : i32
      %dma_wait3A_89 = arith.constant 0 : i32
      %dma_wait3A_90 = tpu.memref_slice %arg6[%run_scoped3A_17, %dma_wait3A_88, %dma_wait3A_89] : memref<2x128x128xf32, #tpu.memory_space<vmem>> -> memref<1x128x128xf32, #tpu.memory_space<vmem>>
      %dma_wait3A_91 = tpu.memref_squeeze %dma_wait3A_90 : memref<1x128x128xf32, #tpu.memory_space<vmem>> -> memref<128x128xf32, #tpu.memory_space<vmem>>
      %dma_wait3A_92 = arith.constant 0 : i32
      %dma_wait3A_93 = tpu.memref_slice %arg7[%add3A_16, %dma_wait3A_92] : memref<10240x128xf32, #tpu.memory_space<vmem_shared>> -> memref<128x128xf32, #tpu.memory_space<vmem_shared>>
      %dma_wait3A_94 = arith.constant 0 : i32
      %dma_wait3A_95 = tpu.memref_slice %arg7[%add3A_16, %dma_wait3A_94] : memref<10240x128xf32, #tpu.memory_space<vmem_shared>> -> memref<128x128xf32, #tpu.memory_space<vmem_shared>>
      %dma_wait3A_96 = arith.constant 0 : i32
      %dma_wait3A_97 = arith.constant 0 : i32
      %dma_wait3A_98 = tpu.memref_slice %arg6[%run_scoped3A_17, %dma_wait3A_96, %dma_wait3A_97] : memref<2x128x128xf32, #tpu.memory_space<vmem>> -> memref<1x128x128xf32, #tpu.memory_space<vmem>>
      %dma_wait3A_99 = tpu.memref_squeeze %dma_wait3A_98 : memref<1x128x128xf32, #tpu.memory_space<vmem>> -> memref<128x128xf32, #tpu.memory_space<vmem>>
      tpu.wait_dma2 semaphore(%run_scoped3A_76 : memref<!tpu.dma_semaphore, #tpu.memory_space<semaphore_mem>>) src(%dma_wait3A_99 : memref<128x128xf32, #tpu.memory_space<vmem>>) dst(%dma_wait3A_95 : memref<128x128xf32, #tpu.memory_space<vmem_shared>>)
      tpu.yield
    }) : () -> ()
    %add3A_18 = arith.constant 384 : i32
    %add3A_19 = arith.addi %mul3A_9, %add3A_18 : i32
    %run_scoped3A_20 = arith.constant 0 : i32
    "tpu.region"() ({
      %run_scoped3A_76 = tpu.sem_alloc : memref<!tpu.dma_semaphore, #tpu.memory_space<semaphore_mem>>
      %dma_start3A = arith.constant 0 : i32
      %dma_start3A_77 = arith.constant 0 : i32
      %dma_start3A_78 = tpu.memref_slice %arg6[%run_scoped3A_20, %dma_start3A, %dma_start3A_77] : memref<2x128x128xf32, #tpu.memory_space<vmem>> -> memref<1x128x128xf32, #tpu.memory_space<vmem>>
      %dma_start3A_79 = tpu.memref_squeeze %dma_start3A_78 : memref<1x128x128xf32, #tpu.memory_space<vmem>> -> memref<128x128xf32, #tpu.memory_space<vmem>>
      %dma_start3A_80 = arith.constant 0 : i32
      %dma_start3A_81 = tpu.memref_slice %arg7[%add3A_19, %dma_start3A_80] : memref<10240x128xf32, #tpu.memory_space<vmem_shared>> -> memref<128x128xf32, #tpu.memory_space<vmem_shared>>
      %dma_start3A_82 = arith.constant 0 : i32
      %dma_start3A_83 = tpu.memref_slice %arg7[%add3A_19, %dma_start3A_82] : memref<10240x128xf32, #tpu.memory_space<vmem_shared>> -> memref<128x128xf32, #tpu.memory_space<vmem_shared>>
      %dma_start3A_84 = arith.constant 0 : i32
      %dma_start3A_85 = arith.constant 0 : i32
      %dma_start3A_86 = tpu.memref_slice %arg6[%run_scoped3A_20, %dma_start3A_84, %dma_start3A_85] : memref<2x128x128xf32, #tpu.memory_space<vmem>> -> memref<1x128x128xf32, #tpu.memory_space<vmem>>
      %dma_start3A_87 = tpu.memref_squeeze %dma_start3A_86 : memref<1x128x128xf32, #tpu.memory_space<vmem>> -> memref<128x128xf32, #tpu.memory_space<vmem>>
      tpu.enqueue_dma source(%dma_start3A_87 : memref<128x128xf32, #tpu.memory_space<vmem>>) target(%dma_start3A_83 : memref<128x128xf32, #tpu.memory_space<vmem_shared>>) target_semaphore(%run_scoped3A_76 : memref<!tpu.dma_semaphore, #tpu.memory_space<semaphore_mem>>)
      %dma_wait3A_88 = arith.constant 0 : i32
      %dma_wait3A_89 = arith.constant 0 : i32
      %dma_wait3A_90 = tpu.memref_slice %arg6[%run_scoped3A_20, %dma_wait3A_88, %dma_wait3A_89] : memref<2x128x128xf32, #tpu.memory_space<vmem>> -> memref<1x128x128xf32, #tpu.memory_space<vmem>>
      %dma_wait3A_91 = tpu.memref_squeeze %dma_wait3A_90 : memref<1x128x128xf32, #tpu.memory_space<vmem>> -> memref<128x128xf32, #tpu.memory_space<vmem>>
      %dma_wait3A_92 = arith.constant 0 : i32
      %dma_wait3A_93 = tpu.memref_slice %arg7[%add3A_19, %dma_wait3A_92] : memref<10240x128xf32, #tpu.memory_space<vmem_shared>> -> memref<128x128xf32, #tpu.memory_space<vmem_shared>>
      %dma_wait3A_94 = arith.constant 0 : i32
      %dma_wait3A_95 = tpu.memref_slice %arg7[%add3A_19, %dma_wait3A_94] : memref<10240x128xf32, #tpu.memory_space<vmem_shared>> -> memref<128x128xf32, #tpu.memory_space<vmem_shared>>
      %dma_wait3A_96 = arith.constant 0 : i32
      %dma_wait3A_97 = arith.constant 0 : i32
      %dma_wait3A_98 = tpu.memref_slice %arg6[%run_scoped3A_20, %dma_wait3A_96, %dma_wait3A_97] : memref<2x128x128xf32, #tpu.memory_space<vmem>> -> memref<1x128x128xf32, #tpu.memory_space<vmem>>
      %dma_wait3A_99 = tpu.memref_squeeze %dma_wait3A_98 : memref<1x128x128xf32, #tpu.memory_space<vmem>> -> memref<128x128xf32, #tpu.memory_space<vmem>>
      tpu.wait_dma2 semaphore(%run_scoped3A_76 : memref<!tpu.dma_semaphore, #tpu.memory_space<semaphore_mem>>) src(%dma_wait3A_99 : memref<128x128xf32, #tpu.memory_space<vmem>>) dst(%dma_wait3A_95 : memref<128x128xf32, #tpu.memory_space<vmem_shared>>)
      tpu.yield
    }) : () -> ()
    %add3A_21 = arith.constant 512 : i32
    %add3A_22 = arith.addi %mul3A_9, %add3A_21 : i32
    %run_scoped3A_23 = arith.constant 0 : i32
    "tpu.region"() ({
      %run_scoped3A_76 = tpu.sem_alloc : memref<!tpu.dma_semaphore, #tpu.memory_space<semaphore_mem>>
      %dma_start3A = arith.constant 0 : i32
      %dma_start3A_77 = arith.constant 0 : i32
      %dma_start3A_78 = tpu.memref_slice %arg6[%run_scoped3A_23, %dma_start3A, %dma_start3A_77] : memref<2x128x128xf32, #tpu.memory_space<vmem>> -> memref<1x128x128xf32, #tpu.memory_space<vmem>>
      %dma_start3A_79 = tpu.memref_squeeze %dma_start3A_78 : memref<1x128x128xf32, #tpu.memory_space<vmem>> -> memref<128x128xf32, #tpu.memory_space<vmem>>
      %dma_start3A_80 = arith.constant 0 : i32
      %dma_start3A_81 = tpu.memref_slice %arg7[%add3A_22, %dma_start3A_80] : memref<10240x128xf32, #tpu.memory_space<vmem_shared>> -> memref<128x128xf32, #tpu.memory_space<vmem_shared>>
      %dma_start3A_82 = arith.constant 0 : i32
      %dma_start3A_83 = tpu.memref_slice %arg7[%add3A_22, %dma_start3A_82] : memref<10240x128xf32, #tpu.memory_space<vmem_shared>> -> memref<128x128xf32, #tpu.memory_space<vmem_shared>>
      %dma_start3A_84 = arith.constant 0 : i32
      %dma_start3A_85 = arith.constant 0 : i32
      %dma_start3A_86 = tpu.memref_slice %arg6[%run_scoped3A_23, %dma_start3A_84, %dma_start3A_85] : memref<2x128x128xf32, #tpu.memory_space<vmem>> -> memref<1x128x128xf32, #tpu.memory_space<vmem>>
      %dma_start3A_87 = tpu.memref_squeeze %dma_start3A_86 : memref<1x128x128xf32, #tpu.memory_space<vmem>> -> memref<128x128xf32, #tpu.memory_space<vmem>>
      tpu.enqueue_dma source(%dma_start3A_87 : memref<128x128xf32, #tpu.memory_space<vmem>>) target(%dma_start3A_83 : memref<128x128xf32, #tpu.memory_space<vmem_shared>>) target_semaphore(%run_scoped3A_76 : memref<!tpu.dma_semaphore, #tpu.memory_space<semaphore_mem>>)
      %dma_wait3A_88 = arith.constant 0 : i32
      %dma_wait3A_89 = arith.constant 0 : i32
      %dma_wait3A_90 = tpu.memref_slice %arg6[%run_scoped3A_23, %dma_wait3A_88, %dma_wait3A_89] : memref<2x128x128xf32, #tpu.memory_space<vmem>> -> memref<1x128x128xf32, #tpu.memory_space<vmem>>
      %dma_wait3A_91 = tpu.memref_squeeze %dma_wait3A_90 : memref<1x128x128xf32, #tpu.memory_space<vmem>> -> memref<128x128xf32, #tpu.memory_space<vmem>>
      %dma_wait3A_92 = arith.constant 0 : i32
      %dma_wait3A_93 = tpu.memref_slice %arg7[%add3A_22, %dma_wait3A_92] : memref<10240x128xf32, #tpu.memory_space<vmem_shared>> -> memref<128x128xf32, #tpu.memory_space<vmem_shared>>
      %dma_wait3A_94 = arith.constant 0 : i32
      %dma_wait3A_95 = tpu.memref_slice %arg7[%add3A_22, %dma_wait3A_94] : memref<10240x128xf32, #tpu.memory_space<vmem_shared>> -> memref<128x128xf32, #tpu.memory_space<vmem_shared>>
      %dma_wait3A_96 = arith.constant 0 : i32
      %dma_wait3A_97 = arith.constant 0 : i32
      %dma_wait3A_98 = tpu.memref_slice %arg6[%run_scoped3A_23, %dma_wait3A_96, %dma_wait3A_97] : memref<2x128x128xf32, #tpu.memory_space<vmem>> -> memref<1x128x128xf32, #tpu.memory_space<vmem>>
      %dma_wait3A_99 = tpu.memref_squeeze %dma_wait3A_98 : memref<1x128x128xf32, #tpu.memory_space<vmem>> -> memref<128x128xf32, #tpu.memory_space<vmem>>
      tpu.wait_dma2 semaphore(%run_scoped3A_76 : memref<!tpu.dma_semaphore, #tpu.memory_space<semaphore_mem>>) src(%dma_wait3A_99 : memref<128x128xf32, #tpu.memory_space<vmem>>) dst(%dma_wait3A_95 : memref<128x128xf32, #tpu.memory_space<vmem_shared>>)
      tpu.yield
    }) : () -> ()
    %barrier3A = arith.constant 0 : index
    tpu.barrier barrier_id(%barrier3A)
    %lt3A = arith.constant 4 : i32
    %lt3A_24 = arith.cmpi slt, %add3A, %lt3A : i32
    %jit3A = arith.constant 79 : i32
    %jit3A_25 = arith.constant 78 : i32
    %select_n3A = arith.select %lt3A_24, %jit3A, %jit3A_25 : i32
    %scan3A_26 = arith.constant 0 : i32
    %scan3A_27 = arith.constant 0 : i32
    %scan3A_28 = arith.constant 40 : i32
    %scan3A_29 = arith.addi %scan3A_27, %scan3A_28 : i32
    %scan3A_30 = arith.constant 1 : i32
    scf.for %scan3A_76 = %scan3A_27 to %scan3A_29 step %scan3A_30  : i32 {
      %mul3A_77 = arith.constant 2 : i32
      %mul3A_78 = arith.muli %scan3A_76, %mul3A_77 : i32
      %add3A_79 = arith.constant 0 : i32
      %add3A_80 = arith.addi %mul3A_78, %add3A_79 : i32
      %lt3A_81 = arith.cmpi slt, %add3A_80, %select_n3A : i32
      %convert_element_type3A = arith.extui %lt3A_81 : i1 to i32
      %cond3A = arith.constant 0 : i32
      %cond3A_82 = arith.cmpi ne, %convert_element_type3A, %cond3A : i32
      scf.if %cond3A_82 {
        %mul3A_106 = arith.constant 32 : i32
        %mul3A_107 = arith.muli %add3A_80, %mul3A_106 : i32
        %add3A_108 = arith.addi %mul3A_107, %add3A : i32
        %mul3A_109 = arith.constant 128 : i32
        %mul3A_110 = arith.muli %add3A_108, %mul3A_109 : i32
        %ge3A_111 = arith.constant 2 : i32
        %ge3A_112 = arith.cmpi sge, %add3A_80, %ge3A_111 : i32
        %convert_element_type3A_113 = arith.extui %ge3A_112 : i1 to i32
        %cond3A_114 = arith.constant 0 : i32
        %cond3A_115 = arith.cmpi ne, %convert_element_type3A_113, %cond3A_114 : i32
        scf.if %cond3A_115 {
          %dma_wait3A_129 = arith.constant 0 : i32
          %dma_wait3A_130 = arith.constant 0 : i32
          %dma_wait3A_131 = arith.constant 0 : i32
          %dma_wait3A_132 = arith.constant 0 : i32
          %dma_wait3A_133 = tpu.memref_slice %arg6[%dma_wait3A_129, %dma_wait3A_131, %dma_wait3A_132] : memref<2x128x128xf32, #tpu.memory_space<vmem>> -> memref<1x128x128xf32, #tpu.memory_space<vmem>>
          %dma_wait3A_134 = tpu.memref_squeeze %dma_wait3A_133 : memref<1x128x128xf32, #tpu.memory_space<vmem>> -> memref<128x128xf32, #tpu.memory_space<vmem>>
          %dma_wait3A_135 = arith.constant 0 : i32
          %dma_wait3A_136 = tpu.memref_slice %arg5[%dma_wait3A_130, %dma_wait3A_135] : memref<2x128xi32, #tpu.memory_space<vmem>> -> memref<1x128xi32, #tpu.memory_space<vmem>>
          %dma_wait3A_137 = tpu.memref_squeeze %dma_wait3A_136 : memref<1x128xi32, #tpu.memory_space<vmem>> -> memref<128xi32, #tpu.memory_space<vmem>>
          %dma_wait3A_138 = arith.constant 0 : i32
          %dma_wait3A_139 = arith.constant 0 : i32
          %dma_wait3A_140 = tpu.memref_slice %arg7[%dma_wait3A_138, %dma_wait3A_139] : memref<10240x128xf32, #tpu.memory_space<vmem_shared>> -> memref<10240x128xf32, #tpu.memory_space<vmem_shared>>
          tpu.wait_indirect_dma semaphore(%arg10 : memref<!tpu.dma_semaphore, #tpu.memory_space<semaphore_mem>>) src(%dma_wait3A_134 : memref<128x128xf32, #tpu.memory_space<vmem>>) dst(%dma_wait3A_140 : memref<10240x128xf32, #tpu.memory_space<vmem_shared>>)
        } else {
        }
        %run_scoped3A_116 = arith.constant 0 : i32
        "tpu.region"() ({
          %run_scoped3A_129 = tpu.sem_alloc : memref<!tpu.dma_semaphore, #tpu.memory_space<semaphore_mem>>
          %dma_start3A_130 = arith.constant 0 : i32
          %dma_start3A_131 = tpu.memref_slice %arg5[%run_scoped3A_116, %dma_start3A_130] : memref<2x128xi32, #tpu.memory_space<vmem>> -> memref<1x128xi32, #tpu.memory_space<vmem>>
          %dma_start3A_132 = tpu.memref_squeeze %dma_start3A_131 : memref<1x128xi32, #tpu.memory_space<vmem>> -> memref<128xi32, #tpu.memory_space<vmem>>
          %dma_start3A_133 = tpu.memref_slice %arg3[%mul3A_110] : memref<320000xi32, #tpu.memory_space<hbm>> -> memref<128xi32, #tpu.memory_space<hbm>>
          %dma_start3A_134 = arith.constant 0 : i32
          %dma_start3A_135 = tpu.memref_slice %arg5[%run_scoped3A_116, %dma_start3A_134] : memref<2x128xi32, #tpu.memory_space<vmem>> -> memref<1x128xi32, #tpu.memory_space<vmem>>
          %dma_start3A_136 = tpu.memref_squeeze %dma_start3A_135 : memref<1x128xi32, #tpu.memory_space<vmem>> -> memref<128xi32, #tpu.memory_space<vmem>>
          %dma_start3A_137 = tpu.memref_slice %arg3[%mul3A_110] : memref<320000xi32, #tpu.memory_space<hbm>> -> memref<128xi32, #tpu.memory_space<hbm>>
          tpu.enqueue_dma source(%dma_start3A_137 : memref<128xi32, #tpu.memory_space<hbm>>) target(%dma_start3A_136 : memref<128xi32, #tpu.memory_space<vmem>>) target_semaphore(%run_scoped3A_129 : memref<!tpu.dma_semaphore, #tpu.memory_space<semaphore_mem>>)
          %dma_wait3A_138 = arith.constant 0 : i32
          %dma_wait3A_139 = tpu.memref_slice %arg5[%run_scoped3A_116, %dma_wait3A_138] : memref<2x128xi32, #tpu.memory_space<vmem>> -> memref<1x128xi32, #tpu.memory_space<vmem>>
          %dma_wait3A_140 = tpu.memref_squeeze %dma_wait3A_139 : memref<1x128xi32, #tpu.memory_space<vmem>> -> memref<128xi32, #tpu.memory_space<vmem>>
          %dma_wait3A_141 = tpu.memref_slice %arg3[%mul3A_110] : memref<320000xi32, #tpu.memory_space<hbm>> -> memref<128xi32, #tpu.memory_space<hbm>>
          %dma_wait3A_142 = arith.constant 0 : i32
          %dma_wait3A_143 = tpu.memref_slice %arg5[%run_scoped3A_116, %dma_wait3A_142] : memref<2x128xi32, #tpu.memory_space<vmem>> -> memref<1x128xi32, #tpu.memory_space<vmem>>
          %dma_wait3A_144 = tpu.memref_squeeze %dma_wait3A_143 : memref<1x128xi32, #tpu.memory_space<vmem>> -> memref<128xi32, #tpu.memory_space<vmem>>
          %dma_wait3A_145 = tpu.memref_slice %arg3[%mul3A_110] : memref<320000xi32, #tpu.memory_space<hbm>> -> memref<128xi32, #tpu.memory_space<hbm>>
          tpu.wait_dma2 semaphore(%run_scoped3A_129 : memref<!tpu.dma_semaphore, #tpu.memory_space<semaphore_mem>>) src(%dma_wait3A_145 : memref<128xi32, #tpu.memory_space<hbm>>) dst(%dma_wait3A_144 : memref<128xi32, #tpu.memory_space<vmem>>)
          tpu.yield
        }) : () -> ()
        %dma_start3A = arith.constant 0 : i32
        %dma_start3A_117 = arith.constant 0 : i32
        %dma_start3A_118 = arith.constant 0 : i32
        %dma_start3A_119 = tpu.memref_slice %arg6[%dma_start3A, %dma_start3A_117, %dma_start3A_118] : memref<2x128x128xf32, #tpu.memory_space<vmem>> -> memref<1x128x128xf32, #tpu.memory_space<vmem>>
        %dma_start3A_120 = tpu.memref_squeeze %dma_start3A_119 : memref<1x128x128xf32, #tpu.memory_space<vmem>> -> memref<128x128xf32, #tpu.memory_space<vmem>>
        %dma_start3A_121 = arith.constant 0 : i32
        %dma_start3A_122 = tpu.memref_slice %arg2[%mul3A_110, %dma_start3A_121] : memref<320000x128xf32, #tpu.memory_space<hbm>> -> memref<128x128xf32, #tpu.memory_space<hbm>>
        %dma_start3A_123 = arith.constant 0 : i32
        %dma_start3A_124 = arith.constant 0 : i32
        %dma_start3A_125 = tpu.memref_slice %arg6[%dma_start3A, %dma_start3A_123, %dma_start3A_124] : memref<2x128x128xf32, #tpu.memory_space<vmem>> -> memref<1x128x128xf32, #tpu.memory_space<vmem>>
        %dma_start3A_126 = tpu.memref_squeeze %dma_start3A_125 : memref<1x128x128xf32, #tpu.memory_space<vmem>> -> memref<128x128xf32, #tpu.memory_space<vmem>>
        %dma_start3A_127 = arith.constant 0 : i32
        %dma_start3A_128 = tpu.memref_slice %arg2[%mul3A_110, %dma_start3A_127] : memref<320000x128xf32, #tpu.memory_space<hbm>> -> memref<128x128xf32, #tpu.memory_space<hbm>>
        tpu.enqueue_dma source(%dma_start3A_128 : memref<128x128xf32, #tpu.memory_space<hbm>>) target(%dma_start3A_126 : memref<128x128xf32, #tpu.memory_space<vmem>>) target_semaphore(%arg8 : memref<!tpu.dma_semaphore, #tpu.memory_space<semaphore_mem>>)
      } else {
      }
      %ge3A = arith.constant 1 : i32
      %ge3A_83 = arith.cmpi sge, %add3A_80, %ge3A : i32
      %sub3A = arith.constant 1 : i32
      %sub3A_84 = arith.subi %add3A_80, %sub3A : i32
      %lt3A_85 = arith.cmpi slt, %sub3A_84, %select_n3A : i32
      %and3A = arith.andi %ge3A_83, %lt3A_85 : i1
      %convert_element_type3A_86 = arith.extui %and3A : i1 to i32
      %cond3A_87 = arith.constant 0 : i32
      %cond3A_88 = arith.cmpi ne, %convert_element_type3A_86, %cond3A_87 : i32
      scf.if %cond3A_88 {
        %sub3A_106 = arith.constant 1 : i32
        %sub3A_107 = arith.subi %add3A_80, %sub3A_106 : i32
        %mul3A_108 = arith.constant 32 : i32
        %mul3A_109 = arith.muli %sub3A_107, %mul3A_108 : i32
        %add3A_110 = arith.addi %mul3A_109, %add3A : i32
        %mul3A_111 = arith.constant 128 : i32
        %mul3A_112 = arith.muli %add3A_110, %mul3A_111 : i32
        %dma_wait3A_113 = arith.constant 1 : i32
        %dma_wait3A_114 = arith.constant 0 : i32
        %dma_wait3A_115 = arith.constant 0 : i32
        %dma_wait3A_116 = tpu.memref_slice %arg6[%dma_wait3A_113, %dma_wait3A_114, %dma_wait3A_115] : memref<2x128x128xf32, #tpu.memory_space<vmem>> -> memref<1x128x128xf32, #tpu.memory_space<vmem>>
        %dma_wait3A_117 = tpu.memref_squeeze %dma_wait3A_116 : memref<1x128x128xf32, #tpu.memory_space<vmem>> -> memref<128x128xf32, #tpu.memory_space<vmem>>
        %dma_wait3A_118 = arith.constant 0 : i32
        %dma_wait3A_119 = tpu.memref_slice %arg2[%mul3A_112, %dma_wait3A_118] : memref<320000x128xf32, #tpu.memory_space<hbm>> -> memref<128x128xf32, #tpu.memory_space<hbm>>
        %dma_wait3A_120 = arith.constant 0 : i32
        %dma_wait3A_121 = arith.constant 0 : i32
        %dma_wait3A_122 = tpu.memref_slice %arg6[%dma_wait3A_113, %dma_wait3A_120, %dma_wait3A_121] : memref<2x128x128xf32, #tpu.memory_space<vmem>> -> memref<1x128x128xf32, #tpu.memory_space<vmem>>
        %dma_wait3A_123 = tpu.memref_squeeze %dma_wait3A_122 : memref<1x128x128xf32, #tpu.memory_space<vmem>> -> memref<128x128xf32, #tpu.memory_space<vmem>>
        %dma_wait3A_124 = arith.constant 0 : i32
        %dma_wait3A_125 = tpu.memref_slice %arg2[%mul3A_112, %dma_wait3A_124] : memref<320000x128xf32, #tpu.memory_space<hbm>> -> memref<128x128xf32, #tpu.memory_space<hbm>>
        tpu.wait_dma2 semaphore(%arg9 : memref<!tpu.dma_semaphore, #tpu.memory_space<semaphore_mem>>) src(%dma_wait3A_125 : memref<128x128xf32, #tpu.memory_space<hbm>>) dst(%dma_wait3A_123 : memref<128x128xf32, #tpu.memory_space<vmem>>)
        %dma_start3A = arith.constant 1 : i32
        %dma_start3A_126 = arith.constant 1 : i32
        %dma_start3A_127 = arith.constant 0 : i32
        %dma_start3A_128 = arith.constant 0 : i32
        %dma_start3A_129 = tpu.memref_slice %arg6[%dma_start3A, %dma_start3A_127, %dma_start3A_128] : memref<2x128x128xf32, #tpu.memory_space<vmem>> -> memref<1x128x128xf32, #tpu.memory_space<vmem>>
        %dma_start3A_130 = tpu.memref_squeeze %dma_start3A_129 : memref<1x128x128xf32, #tpu.memory_space<vmem>> -> memref<128x128xf32, #tpu.memory_space<vmem>>
        %dma_start3A_131 = arith.constant 0 : i32
        %dma_start3A_132 = tpu.memref_slice %arg5[%dma_start3A_126, %dma_start3A_131] : memref<2x128xi32, #tpu.memory_space<vmem>> -> memref<1x128xi32, #tpu.memory_space<vmem>>
        %dma_start3A_133 = tpu.memref_squeeze %dma_start3A_132 : memref<1x128xi32, #tpu.memory_space<vmem>> -> memref<128xi32, #tpu.memory_space<vmem>>
        %dma_start3A_134 = arith.constant 0 : i32
        %dma_start3A_135 = arith.constant 0 : i32
        %dma_start3A_136 = tpu.memref_slice %arg7[%dma_start3A_134, %dma_start3A_135] : memref<10240x128xf32, #tpu.memory_space<vmem_shared>> -> memref<10240x128xf32, #tpu.memory_space<vmem_shared>>
        tpu.enqueue_indirect_dma source(%dma_start3A_130 : memref<128x128xf32, #tpu.memory_space<vmem>>) target(%dma_start3A_136 : memref<10240x128xf32, #tpu.memory_space<vmem_shared>>) offsets(%dma_start3A_133 : memref<128xi32, #tpu.memory_space<vmem>>) semaphore(%arg11 : memref<!tpu.dma_semaphore, #tpu.memory_space<semaphore_mem>>) {add = true}
      } else {
      }
      %mul3A_89 = arith.constant 2 : i32
      %mul3A_90 = arith.muli %scan3A_76, %mul3A_89 : i32
      %add3A_91 = arith.constant 1 : i32
      %add3A_92 = arith.addi %mul3A_90, %add3A_91 : i32
      %lt3A_93 = arith.cmpi slt, %add3A_92, %select_n3A : i32
      %convert_element_type3A_94 = arith.extui %lt3A_93 : i1 to i32
      %cond3A_95 = arith.constant 0 : i32
      %cond3A_96 = arith.cmpi ne, %convert_element_type3A_94, %cond3A_95 : i32
      scf.if %cond3A_96 {
        %mul3A_106 = arith.constant 32 : i32
        %mul3A_107 = arith.muli %add3A_92, %mul3A_106 : i32
        %add3A_108 = arith.addi %mul3A_107, %add3A : i32
        %mul3A_109 = arith.constant 128 : i32
        %mul3A_110 = arith.muli %add3A_108, %mul3A_109 : i32
        %ge3A_111 = arith.constant 2 : i32
        %ge3A_112 = arith.cmpi sge, %add3A_92, %ge3A_111 : i32
        %convert_element_type3A_113 = arith.extui %ge3A_112 : i1 to i32
        %cond3A_114 = arith.constant 0 : i32
        %cond3A_115 = arith.cmpi ne, %convert_element_type3A_113, %cond3A_114 : i32
        scf.if %cond3A_115 {
          %dma_wait3A_129 = arith.constant 1 : i32
          %dma_wait3A_130 = arith.constant 1 : i32
          %dma_wait3A_131 = arith.constant 0 : i32
          %dma_wait3A_132 = arith.constant 0 : i32
          %dma_wait3A_133 = tpu.memref_slice %arg6[%dma_wait3A_129, %dma_wait3A_131, %dma_wait3A_132] : memref<2x128x128xf32, #tpu.memory_space<vmem>> -> memref<1x128x128xf32, #tpu.memory_space<vmem>>
          %dma_wait3A_134 = tpu.memref_squeeze %dma_wait3A_133 : memref<1x128x128xf32, #tpu.memory_space<vmem>> -> memref<128x128xf32, #tpu.memory_space<vmem>>
          %dma_wait3A_135 = arith.constant 0 : i32
          %dma_wait3A_136 = tpu.memref_slice %arg5[%dma_wait3A_130, %dma_wait3A_135] : memref<2x128xi32, #tpu.memory_space<vmem>> -> memref<1x128xi32, #tpu.memory_space<vmem>>
          %dma_wait3A_137 = tpu.memref_squeeze %dma_wait3A_136 : memref<1x128xi32, #tpu.memory_space<vmem>> -> memref<128xi32, #tpu.memory_space<vmem>>
          %dma_wait3A_138 = arith.constant 0 : i32
          %dma_wait3A_139 = arith.constant 0 : i32
          %dma_wait3A_140 = tpu.memref_slice %arg7[%dma_wait3A_138, %dma_wait3A_139] : memref<10240x128xf32, #tpu.memory_space<vmem_shared>> -> memref<10240x128xf32, #tpu.memory_space<vmem_shared>>
          tpu.wait_indirect_dma semaphore(%arg11 : memref<!tpu.dma_semaphore, #tpu.memory_space<semaphore_mem>>) src(%dma_wait3A_134 : memref<128x128xf32, #tpu.memory_space<vmem>>) dst(%dma_wait3A_140 : memref<10240x128xf32, #tpu.memory_space<vmem_shared>>)
        } else {
        }
        %run_scoped3A_116 = arith.constant 1 : i32
        "tpu.region"() ({
          %run_scoped3A_129 = tpu.sem_alloc : memref<!tpu.dma_semaphore, #tpu.memory_space<semaphore_mem>>
          %dma_start3A_130 = arith.constant 0 : i32
          %dma_start3A_131 = tpu.memref_slice %arg5[%run_scoped3A_116, %dma_start3A_130] : memref<2x128xi32, #tpu.memory_space<vmem>> -> memref<1x128xi32, #tpu.memory_space<vmem>>
          %dma_start3A_132 = tpu.memref_squeeze %dma_start3A_131 : memref<1x128xi32, #tpu.memory_space<vmem>> -> memref<128xi32, #tpu.memory_space<vmem>>
          %dma_start3A_133 = tpu.memref_slice %arg3[%mul3A_110] : memref<320000xi32, #tpu.memory_space<hbm>> -> memref<128xi32, #tpu.memory_space<hbm>>
          %dma_start3A_134 = arith.constant 0 : i32
          %dma_start3A_135 = tpu.memref_slice %arg5[%run_scoped3A_116, %dma_start3A_134] : memref<2x128xi32, #tpu.memory_space<vmem>> -> memref<1x128xi32, #tpu.memory_space<vmem>>
          %dma_start3A_136 = tpu.memref_squeeze %dma_start3A_135 : memref<1x128xi32, #tpu.memory_space<vmem>> -> memref<128xi32, #tpu.memory_space<vmem>>
          %dma_start3A_137 = tpu.memref_slice %arg3[%mul3A_110] : memref<320000xi32, #tpu.memory_space<hbm>> -> memref<128xi32, #tpu.memory_space<hbm>>
          tpu.enqueue_dma source(%dma_start3A_137 : memref<128xi32, #tpu.memory_space<hbm>>) target(%dma_start3A_136 : memref<128xi32, #tpu.memory_space<vmem>>) target_semaphore(%run_scoped3A_129 : memref<!tpu.dma_semaphore, #tpu.memory_space<semaphore_mem>>)
          %dma_wait3A_138 = arith.constant 0 : i32
          %dma_wait3A_139 = tpu.memref_slice %arg5[%run_scoped3A_116, %dma_wait3A_138] : memref<2x128xi32, #tpu.memory_space<vmem>> -> memref<1x128xi32, #tpu.memory_space<vmem>>
          %dma_wait3A_140 = tpu.memref_squeeze %dma_wait3A_139 : memref<1x128xi32, #tpu.memory_space<vmem>> -> memref<128xi32, #tpu.memory_space<vmem>>
          %dma_wait3A_141 = tpu.memref_slice %arg3[%mul3A_110] : memref<320000xi32, #tpu.memory_space<hbm>> -> memref<128xi32, #tpu.memory_space<hbm>>
          %dma_wait3A_142 = arith.constant 0 : i32
          %dma_wait3A_143 = tpu.memref_slice %arg5[%run_scoped3A_116, %dma_wait3A_142] : memref<2x128xi32, #tpu.memory_space<vmem>> -> memref<1x128xi32, #tpu.memory_space<vmem>>
          %dma_wait3A_144 = tpu.memref_squeeze %dma_wait3A_143 : memref<1x128xi32, #tpu.memory_space<vmem>> -> memref<128xi32, #tpu.memory_space<vmem>>
          %dma_wait3A_145 = tpu.memref_slice %arg3[%mul3A_110] : memref<320000xi32, #tpu.memory_space<hbm>> -> memref<128xi32, #tpu.memory_space<hbm>>
          tpu.wait_dma2 semaphore(%run_scoped3A_129 : memref<!tpu.dma_semaphore, #tpu.memory_space<semaphore_mem>>) src(%dma_wait3A_145 : memref<128xi32, #tpu.memory_space<hbm>>) dst(%dma_wait3A_144 : memref<128xi32, #tpu.memory_space<vmem>>)
          tpu.yield
        }) : () -> ()
        %dma_start3A = arith.constant 1 : i32
        %dma_start3A_117 = arith.constant 0 : i32
        %dma_start3A_118 = arith.constant 0 : i32
        %dma_start3A_119 = tpu.memref_slice %arg6[%dma_start3A, %dma_start3A_117, %dma_start3A_118] : memref<2x128x128xf32, #tpu.memory_space<vmem>> -> memref<1x128x128xf32, #tpu.memory_space<vmem>>
        %dma_start3A_120 = tpu.memref_squeeze %dma_start3A_119 : memref<1x128x128xf32, #tpu.memory_space<vmem>> -> memref<128x128xf32, #tpu.memory_space<vmem>>
        %dma_start3A_121 = arith.constant 0 : i32
        %dma_start3A_122 = tpu.memref_slice %arg2[%mul3A_110, %dma_start3A_121] : memref<320000x128xf32, #tpu.memory_space<hbm>> -> memref<128x128xf32, #tpu.memory_space<hbm>>
        %dma_start3A_123 = arith.constant 0 : i32
        %dma_start3A_124 = arith.constant 0 : i32
        %dma_start3A_125 = tpu.memref_slice %arg6[%dma_start3A, %dma_start3A_123, %dma_start3A_124] : memref<2x128x128xf32, #tpu.memory_space<vmem>> -> memref<1x128x128xf32, #tpu.memory_space<vmem>>
        %dma_start3A_126 = tpu.memref_squeeze %dma_start3A_125 : memref<1x128x128xf32, #tpu.memory_space<vmem>> -> memref<128x128xf32, #tpu.memory_space<vmem>>
        %dma_start3A_127 = arith.constant 0 : i32
        %dma_start3A_128 = tpu.memref_slice %arg2[%mul3A_110, %dma_start3A_127] : memref<320000x128xf32, #tpu.memory_space<hbm>> -> memref<128x128xf32, #tpu.memory_space<hbm>>
        tpu.enqueue_dma source(%dma_start3A_128 : memref<128x128xf32, #tpu.memory_space<hbm>>) target(%dma_start3A_126 : memref<128x128xf32, #tpu.memory_space<vmem>>) target_semaphore(%arg9 : memref<!tpu.dma_semaphore, #tpu.memory_space<semaphore_mem>>)
      } else {
      }
      %ge3A_97 = arith.constant 1 : i32
      %ge3A_98 = arith.cmpi sge, %add3A_92, %ge3A_97 : i32
      %sub3A_99 = arith.constant 1 : i32
      %sub3A_100 = arith.subi %add3A_92, %sub3A_99 : i32
      %lt3A_101 = arith.cmpi slt, %sub3A_100, %select_n3A : i32
      %and3A_102 = arith.andi %ge3A_98, %lt3A_101 : i1
      %convert_element_type3A_103 = arith.extui %and3A_102 : i1 to i32
      %cond3A_104 = arith.constant 0 : i32
      %cond3A_105 = arith.cmpi ne, %convert_element_type3A_103, %cond3A_104 : i32
      scf.if %cond3A_105 {
        %sub3A_106 = arith.constant 1 : i32
        %sub3A_107 = arith.subi %add3A_92, %sub3A_106 : i32
        %mul3A_108 = arith.constant 32 : i32
        %mul3A_109 = arith.muli %sub3A_107, %mul3A_108 : i32
        %add3A_110 = arith.addi %mul3A_109, %add3A : i32
        %mul3A_111 = arith.constant 128 : i32
        %mul3A_112 = arith.muli %add3A_110, %mul3A_111 : i32
        %dma_wait3A_113 = arith.constant 0 : i32
        %dma_wait3A_114 = arith.constant 0 : i32
        %dma_wait3A_115 = arith.constant 0 : i32
        %dma_wait3A_116 = tpu.memref_slice %arg6[%dma_wait3A_113, %dma_wait3A_114, %dma_wait3A_115] : memref<2x128x128xf32, #tpu.memory_space<vmem>> -> memref<1x128x128xf32, #tpu.memory_space<vmem>>
        %dma_wait3A_117 = tpu.memref_squeeze %dma_wait3A_116 : memref<1x128x128xf32, #tpu.memory_space<vmem>> -> memref<128x128xf32, #tpu.memory_space<vmem>>
        %dma_wait3A_118 = arith.constant 0 : i32
        %dma_wait3A_119 = tpu.memref_slice %arg2[%mul3A_112, %dma_wait3A_118] : memref<320000x128xf32, #tpu.memory_space<hbm>> -> memref<128x128xf32, #tpu.memory_space<hbm>>
        %dma_wait3A_120 = arith.constant 0 : i32
        %dma_wait3A_121 = arith.constant 0 : i32
        %dma_wait3A_122 = tpu.memref_slice %arg6[%dma_wait3A_113, %dma_wait3A_120, %dma_wait3A_121] : memref<2x128x128xf32, #tpu.memory_space<vmem>> -> memref<1x128x128xf32, #tpu.memory_space<vmem>>
        %dma_wait3A_123 = tpu.memref_squeeze %dma_wait3A_122 : memref<1x128x128xf32, #tpu.memory_space<vmem>> -> memref<128x128xf32, #tpu.memory_space<vmem>>
        %dma_wait3A_124 = arith.constant 0 : i32
        %dma_wait3A_125 = tpu.memref_slice %arg2[%mul3A_112, %dma_wait3A_124] : memref<320000x128xf32, #tpu.memory_space<hbm>> -> memref<128x128xf32, #tpu.memory_space<hbm>>
        tpu.wait_dma2 semaphore(%arg8 : memref<!tpu.dma_semaphore, #tpu.memory_space<semaphore_mem>>) src(%dma_wait3A_125 : memref<128x128xf32, #tpu.memory_space<hbm>>) dst(%dma_wait3A_123 : memref<128x128xf32, #tpu.memory_space<vmem>>)
        %dma_start3A = arith.constant 0 : i32
        %dma_start3A_126 = arith.constant 0 : i32
        %dma_start3A_127 = arith.constant 0 : i32
        %dma_start3A_128 = arith.constant 0 : i32
        %dma_start3A_129 = tpu.memref_slice %arg6[%dma_start3A, %dma_start3A_127, %dma_start3A_128] : memref<2x128x128xf32, #tpu.memory_space<vmem>> -> memref<1x128x128xf32, #tpu.memory_space<vmem>>
        %dma_start3A_130 = tpu.memref_squeeze %dma_start3A_129 : memref<1x128x128xf32, #tpu.memory_space<vmem>> -> memref<128x128xf32, #tpu.memory_space<vmem>>
        %dma_start3A_131 = arith.constant 0 : i32
        %dma_start3A_132 = tpu.memref_slice %arg5[%dma_start3A_126, %dma_start3A_131] : memref<2x128xi32, #tpu.memory_space<vmem>> -> memref<1x128xi32, #tpu.memory_space<vmem>>
        %dma_start3A_133 = tpu.memref_squeeze %dma_start3A_132 : memref<1x128xi32, #tpu.memory_space<vmem>> -> memref<128xi32, #tpu.memory_space<vmem>>
        %dma_start3A_134 = arith.constant 0 : i32
        %dma_start3A_135 = arith.constant 0 : i32
        %dma_start3A_136 = tpu.memref_slice %arg7[%dma_start3A_134, %dma_start3A_135] : memref<10240x128xf32, #tpu.memory_space<vmem_shared>> -> memref<10240x128xf32, #tpu.memory_space<vmem_shared>>
        tpu.enqueue_indirect_dma source(%dma_start3A_130 : memref<128x128xf32, #tpu.memory_space<vmem>>) target(%dma_start3A_136 : memref<10240x128xf32, #tpu.memory_space<vmem_shared>>) offsets(%dma_start3A_133 : memref<128xi32, #tpu.memory_space<vmem>>) semaphore(%arg10 : memref<!tpu.dma_semaphore, #tpu.memory_space<semaphore_mem>>) {add = true}
      } else {
      }
    }
    %scan3A_31 = arith.constant 40 : i32
    %dma_wait3A = arith.constant 0 : i32
    %dma_wait3A_32 = arith.constant 0 : i32
    %dma_wait3A_33 = arith.constant 0 : i32
    %dma_wait3A_34 = arith.constant 0 : i32
    %dma_wait3A_35 = tpu.memref_slice %arg6[%dma_wait3A, %dma_wait3A_33, %dma_wait3A_34] : memref<2x128x128xf32, #tpu.memory_space<vmem>> -> memref<1x128x128xf32, #tpu.memory_space<vmem>>
    %dma_wait3A_36 = tpu.memref_squeeze %dma_wait3A_35 : memref<1x128x128xf32, #tpu.memory_space<vmem>> -> memref<128x128xf32, #tpu.memory_space<vmem>>
    %dma_wait3A_37 = arith.constant 0 : i32
    %dma_wait3A_38 = tpu.memref_slice %arg5[%dma_wait3A_32, %dma_wait3A_37] : memref<2x128xi32, #tpu.memory_space<vmem>> -> memref<1x128xi32, #tpu.memory_space<vmem>>
    %dma_wait3A_39 = tpu.memref_squeeze %dma_wait3A_38 : memref<1x128xi32, #tpu.memory_space<vmem>> -> memref<128xi32, #tpu.memory_space<vmem>>
    %dma_wait3A_40 = arith.constant 0 : i32
    %dma_wait3A_41 = arith.constant 0 : i32
    %dma_wait3A_42 = tpu.memref_slice %arg7[%dma_wait3A_40, %dma_wait3A_41] : memref<10240x128xf32, #tpu.memory_space<vmem_shared>> -> memref<10240x128xf32, #tpu.memory_space<vmem_shared>>
    tpu.wait_indirect_dma semaphore(%arg10 : memref<!tpu.dma_semaphore, #tpu.memory_space<semaphore_mem>>) src(%dma_wait3A_36 : memref<128x128xf32, #tpu.memory_space<vmem>>) dst(%dma_wait3A_42 : memref<10240x128xf32, #tpu.memory_space<vmem_shared>>)
    %dma_wait3A_43 = arith.constant 1 : i32
    %dma_wait3A_44 = arith.constant 1 : i32
    %dma_wait3A_45 = arith.constant 0 : i32
    %dma_wait3A_46 = arith.constant 0 : i32
    %dma_wait3A_47 = tpu.memref_slice %arg6[%dma_wait3A_43, %dma_wait3A_45, %dma_wait3A_46] : memref<2x128x128xf32, #tpu.memory_space<vmem>> -> memref<1x128x128xf32, #tpu.memory_space<vmem>>
    %dma_wait3A_48 = tpu.memref_squeeze %dma_wait3A_47 : memref<1x128x128xf32, #tpu.memory_space<vmem>> -> memref<128x128xf32, #tpu.memory_space<vmem>>
    %dma_wait3A_49 = arith.constant 0 : i32
    %dma_wait3A_50 = tpu.memref_slice %arg5[%dma_wait3A_44, %dma_wait3A_49] : memref<2x128xi32, #tpu.memory_space<vmem>> -> memref<1x128xi32, #tpu.memory_space<vmem>>
    %dma_wait3A_51 = tpu.memref_squeeze %dma_wait3A_50 : memref<1x128xi32, #tpu.memory_space<vmem>> -> memref<128xi32, #tpu.memory_space<vmem>>
    %dma_wait3A_52 = arith.constant 0 : i32
    %dma_wait3A_53 = arith.constant 0 : i32
    %dma_wait3A_54 = tpu.memref_slice %arg7[%dma_wait3A_52, %dma_wait3A_53] : memref<10240x128xf32, #tpu.memory_space<vmem_shared>> -> memref<10240x128xf32, #tpu.memory_space<vmem_shared>>
    tpu.wait_indirect_dma semaphore(%arg11 : memref<!tpu.dma_semaphore, #tpu.memory_space<semaphore_mem>>) src(%dma_wait3A_48 : memref<128x128xf32, #tpu.memory_space<vmem>>) dst(%dma_wait3A_54 : memref<10240x128xf32, #tpu.memory_space<vmem_shared>>)
    %barrier3A_55 = arith.constant 0 : index
    tpu.barrier barrier_id(%barrier3A_55)
    %add3A_56 = arith.constant 0 : i32
    %add3A_57 = arith.addi %mul3A_9, %add3A_56 : i32
    %add3A_58 = arith.constant 0 : i32
    %add3A_59 = arith.addi %mul3A_9, %add3A_58 : i32
    "tpu.region"() ({
      %run_scoped3A_76 = tpu.sem_alloc : memref<!tpu.dma_semaphore, #tpu.memory_space<semaphore_mem>>
      %dma_start3A = arith.constant 0 : i32
      %dma_start3A_77 = tpu.memref_slice %arg4[%arg0, %add3A_59, %dma_start3A] : memref<2x10240x128xf32, #tpu.memory_space<hbm>> -> memref<1x128x128xf32, #tpu.memory_space<hbm>>
      %dma_start3A_78 = tpu.memref_squeeze %dma_start3A_77 : memref<1x128x128xf32, #tpu.memory_space<hbm>> -> memref<128x128xf32, #tpu.memory_space<hbm>>
      %dma_start3A_79 = arith.constant 0 : i32
      %dma_start3A_80 = tpu.memref_slice %arg7[%add3A_57, %dma_start3A_79] : memref<10240x128xf32, #tpu.memory_space<vmem_shared>> -> memref<128x128xf32, #tpu.memory_space<vmem_shared>>
      tpu.enqueue_dma source(%dma_start3A_80 : memref<128x128xf32, #tpu.memory_space<vmem_shared>>) target(%dma_start3A_78 : memref<128x128xf32, #tpu.memory_space<hbm>>) target_semaphore(%run_scoped3A_76 : memref<!tpu.dma_semaphore, #tpu.memory_space<semaphore_mem>>)
      %dma_wait3A_81 = arith.constant 0 : i32
      %dma_wait3A_82 = tpu.memref_slice %arg4[%arg0, %add3A_59, %dma_wait3A_81] : memref<2x10240x128xf32, #tpu.memory_space<hbm>> -> memref<1x128x128xf32, #tpu.memory_space<hbm>>
      %dma_wait3A_83 = tpu.memref_squeeze %dma_wait3A_82 : memref<1x128x128xf32, #tpu.memory_space<hbm>> -> memref<128x128xf32, #tpu.memory_space<hbm>>
      %dma_wait3A_84 = arith.constant 0 : i32
      %dma_wait3A_85 = tpu.memref_slice %arg7[%add3A_57, %dma_wait3A_84] : memref<10240x128xf32, #tpu.memory_space<vmem_shared>> -> memref<128x128xf32, #tpu.memory_space<vmem_shared>>
      tpu.wait_dma2 semaphore(%run_scoped3A_76 : memref<!tpu.dma_semaphore, #tpu.memory_space<semaphore_mem>>) src(%dma_wait3A_85 : memref<128x128xf32, #tpu.memory_space<vmem_shared>>) dst(%dma_wait3A_83 : memref<128x128xf32, #tpu.memory_space<hbm>>)
      tpu.yield
    }) : () -> ()
    %add3A_60 = arith.constant 128 : i32
    %add3A_61 = arith.addi %mul3A_9, %add3A_60 : i32
    %add3A_62 = arith.constant 128 : i32
    %add3A_63 = arith.addi %mul3A_9, %add3A_62 : i32
    "tpu.region"() ({
      %run_scoped3A_76 = tpu.sem_alloc : memref<!tpu.dma_semaphore, #tpu.memory_space<semaphore_mem>>
      %dma_start3A = arith.constant 0 : i32
      %dma_start3A_77 = tpu.memref_slice %arg4[%arg0, %add3A_63, %dma_start3A] : memref<2x10240x128xf32, #tpu.memory_space<hbm>> -> memref<1x128x128xf32, #tpu.memory_space<hbm>>
      %dma_start3A_78 = tpu.memref_squeeze %dma_start3A_77 : memref<1x128x128xf32, #tpu.memory_space<hbm>> -> memref<128x128xf32, #tpu.memory_space<hbm>>
      %dma_start3A_79 = arith.constant 0 : i32
      %dma_start3A_80 = tpu.memref_slice %arg7[%add3A_61, %dma_start3A_79] : memref<10240x128xf32, #tpu.memory_space<vmem_shared>> -> memref<128x128xf32, #tpu.memory_space<vmem_shared>>
      tpu.enqueue_dma source(%dma_start3A_80 : memref<128x128xf32, #tpu.memory_space<vmem_shared>>) target(%dma_start3A_78 : memref<128x128xf32, #tpu.memory_space<hbm>>) target_semaphore(%run_scoped3A_76 : memref<!tpu.dma_semaphore, #tpu.memory_space<semaphore_mem>>)
      %dma_wait3A_81 = arith.constant 0 : i32
      %dma_wait3A_82 = tpu.memref_slice %arg4[%arg0, %add3A_63, %dma_wait3A_81] : memref<2x10240x128xf32, #tpu.memory_space<hbm>> -> memref<1x128x128xf32, #tpu.memory_space<hbm>>
      %dma_wait3A_83 = tpu.memref_squeeze %dma_wait3A_82 : memref<1x128x128xf32, #tpu.memory_space<hbm>> -> memref<128x128xf32, #tpu.memory_space<hbm>>
      %dma_wait3A_84 = arith.constant 0 : i32
      %dma_wait3A_85 = tpu.memref_slice %arg7[%add3A_61, %dma_wait3A_84] : memref<10240x128xf32, #tpu.memory_space<vmem_shared>> -> memref<128x128xf32, #tpu.memory_space<vmem_shared>>
      tpu.wait_dma2 semaphore(%run_scoped3A_76 : memref<!tpu.dma_semaphore, #tpu.memory_space<semaphore_mem>>) src(%dma_wait3A_85 : memref<128x128xf32, #tpu.memory_space<vmem_shared>>) dst(%dma_wait3A_83 : memref<128x128xf32, #tpu.memory_space<hbm>>)
      tpu.yield
    }) : () -> ()
    %add3A_64 = arith.constant 256 : i32
    %add3A_65 = arith.addi %mul3A_9, %add3A_64 : i32
    %add3A_66 = arith.constant 256 : i32
    %add3A_67 = arith.addi %mul3A_9, %add3A_66 : i32
    "tpu.region"() ({
      %run_scoped3A_76 = tpu.sem_alloc : memref<!tpu.dma_semaphore, #tpu.memory_space<semaphore_mem>>
      %dma_start3A = arith.constant 0 : i32
      %dma_start3A_77 = tpu.memref_slice %arg4[%arg0, %add3A_67, %dma_start3A] : memref<2x10240x128xf32, #tpu.memory_space<hbm>> -> memref<1x128x128xf32, #tpu.memory_space<hbm>>
      %dma_start3A_78 = tpu.memref_squeeze %dma_start3A_77 : memref<1x128x128xf32, #tpu.memory_space<hbm>> -> memref<128x128xf32, #tpu.memory_space<hbm>>
      %dma_start3A_79 = arith.constant 0 : i32
      %dma_start3A_80 = tpu.memref_slice %arg7[%add3A_65, %dma_start3A_79] : memref<10240x128xf32, #tpu.memory_space<vmem_shared>> -> memref<128x128xf32, #tpu.memory_space<vmem_shared>>
      tpu.enqueue_dma source(%dma_start3A_80 : memref<128x128xf32, #tpu.memory_space<vmem_shared>>) target(%dma_start3A_78 : memref<128x128xf32, #tpu.memory_space<hbm>>) target_semaphore(%run_scoped3A_76 : memref<!tpu.dma_semaphore, #tpu.memory_space<semaphore_mem>>)
      %dma_wait3A_81 = arith.constant 0 : i32
      %dma_wait3A_82 = tpu.memref_slice %arg4[%arg0, %add3A_67, %dma_wait3A_81] : memref<2x10240x128xf32, #tpu.memory_space<hbm>> -> memref<1x128x128xf32, #tpu.memory_space<hbm>>
      %dma_wait3A_83 = tpu.memref_squeeze %dma_wait3A_82 : memref<1x128x128xf32, #tpu.memory_space<hbm>> -> memref<128x128xf32, #tpu.memory_space<hbm>>
      %dma_wait3A_84 = arith.constant 0 : i32
      %dma_wait3A_85 = tpu.memref_slice %arg7[%add3A_65, %dma_wait3A_84] : memref<10240x128xf32, #tpu.memory_space<vmem_shared>> -> memref<128x128xf32, #tpu.memory_space<vmem_shared>>
      tpu.wait_dma2 semaphore(%run_scoped3A_76 : memref<!tpu.dma_semaphore, #tpu.memory_space<semaphore_mem>>) src(%dma_wait3A_85 : memref<128x128xf32, #tpu.memory_space<vmem_shared>>) dst(%dma_wait3A_83 : memref<128x128xf32, #tpu.memory_space<hbm>>)
      tpu.yield
    }) : () -> ()
    %add3A_68 = arith.constant 384 : i32
    %add3A_69 = arith.addi %mul3A_9, %add3A_68 : i32
    %add3A_70 = arith.constant 384 : i32
    %add3A_71 = arith.addi %mul3A_9, %add3A_70 : i32
    "tpu.region"() ({
      %run_scoped3A_76 = tpu.sem_alloc : memref<!tpu.dma_semaphore, #tpu.memory_space<semaphore_mem>>
      %dma_start3A = arith.constant 0 : i32
      %dma_start3A_77 = tpu.memref_slice %arg4[%arg0, %add3A_71, %dma_start3A] : memref<2x10240x128xf32, #tpu.memory_space<hbm>> -> memref<1x128x128xf32, #tpu.memory_space<hbm>>
      %dma_start3A_78 = tpu.memref_squeeze %dma_start3A_77 : memref<1x128x128xf32, #tpu.memory_space<hbm>> -> memref<128x128xf32, #tpu.memory_space<hbm>>
      %dma_start3A_79 = arith.constant 0 : i32
      %dma_start3A_80 = tpu.memref_slice %arg7[%add3A_69, %dma_start3A_79] : memref<10240x128xf32, #tpu.memory_space<vmem_shared>> -> memref<128x128xf32, #tpu.memory_space<vmem_shared>>
      tpu.enqueue_dma source(%dma_start3A_80 : memref<128x128xf32, #tpu.memory_space<vmem_shared>>) target(%dma_start3A_78 : memref<128x128xf32, #tpu.memory_space<hbm>>) target_semaphore(%run_scoped3A_76 : memref<!tpu.dma_semaphore, #tpu.memory_space<semaphore_mem>>)
      %dma_wait3A_81 = arith.constant 0 : i32
      %dma_wait3A_82 = tpu.memref_slice %arg4[%arg0, %add3A_71, %dma_wait3A_81] : memref<2x10240x128xf32, #tpu.memory_space<hbm>> -> memref<1x128x128xf32, #tpu.memory_space<hbm>>
      %dma_wait3A_83 = tpu.memref_squeeze %dma_wait3A_82 : memref<1x128x128xf32, #tpu.memory_space<hbm>> -> memref<128x128xf32, #tpu.memory_space<hbm>>
      %dma_wait3A_84 = arith.constant 0 : i32
      %dma_wait3A_85 = tpu.memref_slice %arg7[%add3A_69, %dma_wait3A_84] : memref<10240x128xf32, #tpu.memory_space<vmem_shared>> -> memref<128x128xf32, #tpu.memory_space<vmem_shared>>
      tpu.wait_dma2 semaphore(%run_scoped3A_76 : memref<!tpu.dma_semaphore, #tpu.memory_space<semaphore_mem>>) src(%dma_wait3A_85 : memref<128x128xf32, #tpu.memory_space<vmem_shared>>) dst(%dma_wait3A_83 : memref<128x128xf32, #tpu.memory_space<hbm>>)
      tpu.yield
    }) : () -> ()
    %add3A_72 = arith.constant 512 : i32
    %add3A_73 = arith.addi %mul3A_9, %add3A_72 : i32
    %add3A_74 = arith.constant 512 : i32
    %add3A_75 = arith.addi %mul3A_9, %add3A_74 : i32
    "tpu.region"() ({
      %run_scoped3A_76 = tpu.sem_alloc : memref<!tpu.dma_semaphore, #tpu.memory_space<semaphore_mem>>
      %dma_start3A = arith.constant 0 : i32
      %dma_start3A_77 = tpu.memref_slice %arg4[%arg0, %add3A_75, %dma_start3A] : memref<2x10240x128xf32, #tpu.memory_space<hbm>> -> memref<1x128x128xf32, #tpu.memory_space<hbm>>
      %dma_start3A_78 = tpu.memref_squeeze %dma_start3A_77 : memref<1x128x128xf32, #tpu.memory_space<hbm>> -> memref<128x128xf32, #tpu.memory_space<hbm>>
      %dma_start3A_79 = arith.constant 0 : i32
      %dma_start3A_80 = tpu.memref_slice %arg7[%add3A_73, %dma_start3A_79] : memref<10240x128xf32, #tpu.memory_space<vmem_shared>> -> memref<128x128xf32, #tpu.memory_space<vmem_shared>>
      tpu.enqueue_dma source(%dma_start3A_80 : memref<128x128xf32, #tpu.memory_space<vmem_shared>>) target(%dma_start3A_78 : memref<128x128xf32, #tpu.memory_space<hbm>>) target_semaphore(%run_scoped3A_76 : memref<!tpu.dma_semaphore, #tpu.memory_space<semaphore_mem>>)
      %dma_wait3A_81 = arith.constant 0 : i32
      %dma_wait3A_82 = tpu.memref_slice %arg4[%arg0, %add3A_75, %dma_wait3A_81] : memref<2x10240x128xf32, #tpu.memory_space<hbm>> -> memref<1x128x128xf32, #tpu.memory_space<hbm>>
      %dma_wait3A_83 = tpu.memref_squeeze %dma_wait3A_82 : memref<1x128x128xf32, #tpu.memory_space<hbm>> -> memref<128x128xf32, #tpu.memory_space<hbm>>
      %dma_wait3A_84 = arith.constant 0 : i32
      %dma_wait3A_85 = tpu.memref_slice %arg7[%add3A_73, %dma_wait3A_84] : memref<10240x128xf32, #tpu.memory_space<vmem_shared>> -> memref<128x128xf32, #tpu.memory_space<vmem_shared>>
      tpu.wait_dma2 semaphore(%run_scoped3A_76 : memref<!tpu.dma_semaphore, #tpu.memory_space<semaphore_mem>>) src(%dma_wait3A_85 : memref<128x128xf32, #tpu.memory_space<vmem_shared>>) dst(%dma_wait3A_83 : memref<128x128xf32, #tpu.memory_space<hbm>>)
      tpu.yield
    }) : () -> ()
    return
  }
}

#map = affine_map<(d0, d1) -> (0, 0)>
#map1 = affine_map<(d0, d1) -> (0)>
#map2 = affine_map<(d0, d1) -> (0, 0, 0)>
module attributes {stable_mosaic.version = 14 : i64} {
  func.func @_sc_node_seg_sum(%arg0: i32, %arg1: i32, %arg2: memref<10000x128xf32, #tpu.memory_space<hbm>>, %arg3: memref<320000xi32, #tpu.memory_space<hbm>>, %arg4: memref<320000xi32, #tpu.memory_space<hbm>>, %arg5: memref<2x10240x128xf32, #tpu.memory_space<hbm>>, %arg6: memref<2x128xi32, #tpu.memory_space<vmem>>, %arg7: memref<2x128xi32, #tpu.memory_space<vmem>>, %arg8: memref<2x128x128xf32, #tpu.memory_space<vmem>>, %arg9: memref<10240x128xf32, #tpu.memory_space<vmem_shared>>, %arg10: memref<!tpu.dma_semaphore, #tpu.memory_space<semaphore_mem>>, %arg11: memref<!tpu.dma_semaphore, #tpu.memory_space<semaphore_mem>>, %arg12: memref<!tpu.dma_semaphore, #tpu.memory_space<semaphore_mem>>, %arg13: memref<!tpu.dma_semaphore, #tpu.memory_space<semaphore_mem>>, %arg14: memref<!tpu.dma_semaphore, #tpu.memory_space<semaphore_mem>>) attributes {dimension_semantics = [#tpu.dimension_semantics<core_parallel>, #tpu.dimension_semantics<subcore_parallel>], iteration_bounds = array<i64: 2, 16>, scalar_prefetch = 0 : i64, scratch_operands = 9 : i64, tpu.core_type = #tpu.core_type<sc_vector_subcore>, window_params = [{transform_indices = #map}, {transform_indices = #map1}, {transform_indices = #map1}, {transform_indices = #map2}]} {
    %mul3A = arith.constant 2 : i32
    %mul3A_0 = arith.muli %arg1, %mul3A : i32
    %add3A = arith.addi %mul3A_0, %arg0 : i32
    %broadcast_in_dim3A = arith.constant 0.000000e+00 : f32
    %broadcast_in_dim3A_1 = vector.broadcast %broadcast_in_dim3A : f32 to vector<16xf32>
    %scan3A = arith.constant 0 : i32
    %scan3A_2 = arith.constant 0 : i32
    %scan3A_3 = arith.constant 0 : i32
    %scan3A_4 = arith.constant 128 : i32
    %scan3A_5 = arith.addi %scan3A_3, %scan3A_4 : i32
    %scan3A_6 = arith.constant 1 : i32
    scf.for %scan3A_76 = %scan3A_3 to %scan3A_5 step %scan3A_6  : i32 {
      %swap3A = arith.constant 0 : i32
      %swap3A_77 = arith.constant 0 : i32
      %swap3A_78 = tpu.memref_slice %arg8[%scan3A_2, %swap3A, %swap3A_77] : memref<2x128x128xf32, #tpu.memory_space<vmem>> -> memref<1x128x128xf32, #tpu.memory_space<vmem>>
      %swap3A_79 = tpu.memref_squeeze %swap3A_78 : memref<1x128x128xf32, #tpu.memory_space<vmem>> -> memref<128x128xf32, #tpu.memory_space<vmem>>
      %swap3A_80 = arith.index_cast %scan3A_76 : i32 to index
      %swap3A_81 = arith.constant 0 : index
      %swap3A_82 = tpu.vector_load %swap3A_79[%swap3A_80, %swap3A_81] {strides = array<i32>} : memref<128x128xf32, #tpu.memory_space<vmem>>, vector<1x16xf32>,
      %swap3A_83 = vector.shape_cast %swap3A_82 : vector<1x16xf32> to vector<16xf32>
      %swap3A_84 = vector.shape_cast %broadcast_in_dim3A_1 : vector<16xf32> to vector<1x16xf32>
      tpu.vector_store %swap3A_79[%swap3A_80, %swap3A_81], %swap3A_84 {strides = array<i32>} : memref<128x128xf32, #tpu.memory_space<vmem>>, vector<1x16xf32>,
      %swap3A_85 = arith.constant 0 : i32
      %swap3A_86 = arith.constant 0 : i32
      %swap3A_87 = tpu.memref_slice %arg8[%scan3A_2, %swap3A_85, %swap3A_86] : memref<2x128x128xf32, #tpu.memory_space<vmem>> -> memref<1x128x128xf32, #tpu.memory_space<vmem>>
      %swap3A_88 = tpu.memref_squeeze %swap3A_87 : memref<1x128x128xf32, #tpu.memory_space<vmem>> -> memref<128x128xf32, #tpu.memory_space<vmem>>
      %swap3A_89 = arith.index_cast %scan3A_76 : i32 to index
      %swap3A_90 = arith.constant 16 : index
      %swap3A_91 = tpu.vector_load %swap3A_88[%swap3A_89, %swap3A_90] {strides = array<i32>} : memref<128x128xf32, #tpu.memory_space<vmem>>, vector<1x16xf32>,
      %swap3A_92 = vector.shape_cast %swap3A_91 : vector<1x16xf32> to vector<16xf32>
      %swap3A_93 = vector.shape_cast %broadcast_in_dim3A_1 : vector<16xf32> to vector<1x16xf32>
      tpu.vector_store %swap3A_88[%swap3A_89, %swap3A_90], %swap3A_93 {strides = array<i32>} : memref<128x128xf32, #tpu.memory_space<vmem>>, vector<1x16xf32>,
      %swap3A_94 = arith.constant 0 : i32
      %swap3A_95 = arith.constant 0 : i32
      %swap3A_96 = tpu.memref_slice %arg8[%scan3A_2, %swap3A_94, %swap3A_95] : memref<2x128x128xf32, #tpu.memory_space<vmem>> -> memref<1x128x128xf32, #tpu.memory_space<vmem>>
      %swap3A_97 = tpu.memref_squeeze %swap3A_96 : memref<1x128x128xf32, #tpu.memory_space<vmem>> -> memref<128x128xf32, #tpu.memory_space<vmem>>
      %swap3A_98 = arith.index_cast %scan3A_76 : i32 to index
      %swap3A_99 = arith.constant 32 : index
      %swap3A_100 = tpu.vector_load %swap3A_97[%swap3A_98, %swap3A_99] {strides = array<i32>} : memref<128x128xf32, #tpu.memory_space<vmem>>, vector<1x16xf32>,
      %swap3A_101 = vector.shape_cast %swap3A_100 : vector<1x16xf32> to vector<16xf32>
      %swap3A_102 = vector.shape_cast %broadcast_in_dim3A_1 : vector<16xf32> to vector<1x16xf32>
      tpu.vector_store %swap3A_97[%swap3A_98, %swap3A_99], %swap3A_102 {strides = array<i32>} : memref<128x128xf32, #tpu.memory_space<vmem>>, vector<1x16xf32>,
      %swap3A_103 = arith.constant 0 : i32
      %swap3A_104 = arith.constant 0 : i32
      %swap3A_105 = tpu.memref_slice %arg8[%scan3A_2, %swap3A_103, %swap3A_104] : memref<2x128x128xf32, #tpu.memory_space<vmem>> -> memref<1x128x128xf32, #tpu.memory_space<vmem>>
      %swap3A_106 = tpu.memref_squeeze %swap3A_105 : memref<1x128x128xf32, #tpu.memory_space<vmem>> -> memref<128x128xf32, #tpu.memory_space<vmem>>
      %swap3A_107 = arith.index_cast %scan3A_76 : i32 to index
      %swap3A_108 = arith.constant 48 : index
      %swap3A_109 = tpu.vector_load %swap3A_106[%swap3A_107, %swap3A_108] {strides = array<i32>} : memref<128x128xf32, #tpu.memory_space<vmem>>, vector<1x16xf32>,
      %swap3A_110 = vector.shape_cast %swap3A_109 : vector<1x16xf32> to vector<16xf32>
      %swap3A_111 = vector.shape_cast %broadcast_in_dim3A_1 : vector<16xf32> to vector<1x16xf32>
      tpu.vector_store %swap3A_106[%swap3A_107, %swap3A_108], %swap3A_111 {strides = array<i32>} : memref<128x128xf32, #tpu.memory_space<vmem>>, vector<1x16xf32>,
      %swap3A_112 = arith.constant 0 : i32
      %swap3A_113 = arith.constant 0 : i32
      %swap3A_114 = tpu.memref_slice %arg8[%scan3A_2, %swap3A_112, %swap3A_113] : memref<2x128x128xf32, #tpu.memory_space<vmem>> -> memref<1x128x128xf32, #tpu.memory_space<vmem>>
      %swap3A_115 = tpu.memref_squeeze %swap3A_114 : memref<1x128x128xf32, #tpu.memory_space<vmem>> -> memref<128x128xf32, #tpu.memory_space<vmem>>
      %swap3A_116 = arith.index_cast %scan3A_76 : i32 to index
      %swap3A_117 = arith.constant 64 : index
      %swap3A_118 = tpu.vector_load %swap3A_115[%swap3A_116, %swap3A_117] {strides = array<i32>} : memref<128x128xf32, #tpu.memory_space<vmem>>, vector<1x16xf32>,
      %swap3A_119 = vector.shape_cast %swap3A_118 : vector<1x16xf32> to vector<16xf32>
      %swap3A_120 = vector.shape_cast %broadcast_in_dim3A_1 : vector<16xf32> to vector<1x16xf32>
      tpu.vector_store %swap3A_115[%swap3A_116, %swap3A_117], %swap3A_120 {strides = array<i32>} : memref<128x128xf32, #tpu.memory_space<vmem>>, vector<1x16xf32>,
      %swap3A_121 = arith.constant 0 : i32
      %swap3A_122 = arith.constant 0 : i32
      %swap3A_123 = tpu.memref_slice %arg8[%scan3A_2, %swap3A_121, %swap3A_122] : memref<2x128x128xf32, #tpu.memory_space<vmem>> -> memref<1x128x128xf32, #tpu.memory_space<vmem>>
      %swap3A_124 = tpu.memref_squeeze %swap3A_123 : memref<1x128x128xf32, #tpu.memory_space<vmem>> -> memref<128x128xf32, #tpu.memory_space<vmem>>
      %swap3A_125 = arith.index_cast %scan3A_76 : i32 to index
      %swap3A_126 = arith.constant 80 : index
      %swap3A_127 = tpu.vector_load %swap3A_124[%swap3A_125, %swap3A_126] {strides = array<i32>} : memref<128x128xf32, #tpu.memory_space<vmem>>, vector<1x16xf32>,
      %swap3A_128 = vector.shape_cast %swap3A_127 : vector<1x16xf32> to vector<16xf32>
      %swap3A_129 = vector.shape_cast %broadcast_in_dim3A_1 : vector<16xf32> to vector<1x16xf32>
      tpu.vector_store %swap3A_124[%swap3A_125, %swap3A_126], %swap3A_129 {strides = array<i32>} : memref<128x128xf32, #tpu.memory_space<vmem>>, vector<1x16xf32>,
      %swap3A_130 = arith.constant 0 : i32
      %swap3A_131 = arith.constant 0 : i32
      %swap3A_132 = tpu.memref_slice %arg8[%scan3A_2, %swap3A_130, %swap3A_131] : memref<2x128x128xf32, #tpu.memory_space<vmem>> -> memref<1x128x128xf32, #tpu.memory_space<vmem>>
      %swap3A_133 = tpu.memref_squeeze %swap3A_132 : memref<1x128x128xf32, #tpu.memory_space<vmem>> -> memref<128x128xf32, #tpu.memory_space<vmem>>
      %swap3A_134 = arith.index_cast %scan3A_76 : i32 to index
      %swap3A_135 = arith.constant 96 : index
      %swap3A_136 = tpu.vector_load %swap3A_133[%swap3A_134, %swap3A_135] {strides = array<i32>} : memref<128x128xf32, #tpu.memory_space<vmem>>, vector<1x16xf32>,
      %swap3A_137 = vector.shape_cast %swap3A_136 : vector<1x16xf32> to vector<16xf32>
      %swap3A_138 = vector.shape_cast %broadcast_in_dim3A_1 : vector<16xf32> to vector<1x16xf32>
      tpu.vector_store %swap3A_133[%swap3A_134, %swap3A_135], %swap3A_138 {strides = array<i32>} : memref<128x128xf32, #tpu.memory_space<vmem>>, vector<1x16xf32>,
      %swap3A_139 = arith.constant 0 : i32
      %swap3A_140 = arith.constant 0 : i32
      %swap3A_141 = tpu.memref_slice %arg8[%scan3A_2, %swap3A_139, %swap3A_140] : memref<2x128x128xf32, #tpu.memory_space<vmem>> -> memref<1x128x128xf32, #tpu.memory_space<vmem>>
      %swap3A_142 = tpu.memref_squeeze %swap3A_141 : memref<1x128x128xf32, #tpu.memory_space<vmem>> -> memref<128x128xf32, #tpu.memory_space<vmem>>
      %swap3A_143 = arith.index_cast %scan3A_76 : i32 to index
      %swap3A_144 = arith.constant 112 : index
      %swap3A_145 = tpu.vector_load %swap3A_142[%swap3A_143, %swap3A_144] {strides = array<i32>} : memref<128x128xf32, #tpu.memory_space<vmem>>, vector<1x16xf32>,
      %swap3A_146 = vector.shape_cast %swap3A_145 : vector<1x16xf32> to vector<16xf32>
      %swap3A_147 = vector.shape_cast %broadcast_in_dim3A_1 : vector<16xf32> to vector<1x16xf32>
      tpu.vector_store %swap3A_142[%swap3A_143, %swap3A_144], %swap3A_147 {strides = array<i32>} : memref<128x128xf32, #tpu.memory_space<vmem>>, vector<1x16xf32>,
    }
    %scan3A_7 = arith.constant 128 : i32
    %mul3A_8 = arith.constant 640 : i32
    %mul3A_9 = arith.muli %arg1, %mul3A_8 : i32
    %add3A_10 = arith.constant 0 : i32
    %add3A_11 = arith.addi %mul3A_9, %add3A_10 : i32
    %run_scoped3A = arith.constant 0 : i32
    "tpu.region"() ({
      %run_scoped3A_76 = tpu.sem_alloc : memref<!tpu.dma_semaphore, #tpu.memory_space<semaphore_mem>>
      %dma_start3A = arith.constant 0 : i32
      %dma_start3A_77 = arith.constant 0 : i32
      %dma_start3A_78 = tpu.memref_slice %arg8[%run_scoped3A, %dma_start3A, %dma_start3A_77] : memref<2x128x128xf32, #tpu.memory_space<vmem>> -> memref<1x128x128xf32, #tpu.memory_space<vmem>>
      %dma_start3A_79 = tpu.memref_squeeze %dma_start3A_78 : memref<1x128x128xf32, #tpu.memory_space<vmem>> -> memref<128x128xf32, #tpu.memory_space<vmem>>
      %dma_start3A_80 = arith.constant 0 : i32
      %dma_start3A_81 = tpu.memref_slice %arg9[%add3A_11, %dma_start3A_80] : memref<10240x128xf32, #tpu.memory_space<vmem_shared>> -> memref<128x128xf32, #tpu.memory_space<vmem_shared>>
      %dma_start3A_82 = arith.constant 0 : i32
      %dma_start3A_83 = tpu.memref_slice %arg9[%add3A_11, %dma_start3A_82] : memref<10240x128xf32, #tpu.memory_space<vmem_shared>> -> memref<128x128xf32, #tpu.memory_space<vmem_shared>>
      %dma_start3A_84 = arith.constant 0 : i32
      %dma_start3A_85 = arith.constant 0 : i32
      %dma_start3A_86 = tpu.memref_slice %arg8[%run_scoped3A, %dma_start3A_84, %dma_start3A_85] : memref<2x128x128xf32, #tpu.memory_space<vmem>> -> memref<1x128x128xf32, #tpu.memory_space<vmem>>
      %dma_start3A_87 = tpu.memref_squeeze %dma_start3A_86 : memref<1x128x128xf32, #tpu.memory_space<vmem>> -> memref<128x128xf32, #tpu.memory_space<vmem>>
      tpu.enqueue_dma source(%dma_start3A_87 : memref<128x128xf32, #tpu.memory_space<vmem>>) target(%dma_start3A_83 : memref<128x128xf32, #tpu.memory_space<vmem_shared>>) target_semaphore(%run_scoped3A_76 : memref<!tpu.dma_semaphore, #tpu.memory_space<semaphore_mem>>)
      %dma_wait3A_88 = arith.constant 0 : i32
      %dma_wait3A_89 = arith.constant 0 : i32
      %dma_wait3A_90 = tpu.memref_slice %arg8[%run_scoped3A, %dma_wait3A_88, %dma_wait3A_89] : memref<2x128x128xf32, #tpu.memory_space<vmem>> -> memref<1x128x128xf32, #tpu.memory_space<vmem>>
      %dma_wait3A_91 = tpu.memref_squeeze %dma_wait3A_90 : memref<1x128x128xf32, #tpu.memory_space<vmem>> -> memref<128x128xf32, #tpu.memory_space<vmem>>
      %dma_wait3A_92 = arith.constant 0 : i32
      %dma_wait3A_93 = tpu.memref_slice %arg9[%add3A_11, %dma_wait3A_92] : memref<10240x128xf32, #tpu.memory_space<vmem_shared>> -> memref<128x128xf32, #tpu.memory_space<vmem_shared>>
      %dma_wait3A_94 = arith.constant 0 : i32
      %dma_wait3A_95 = tpu.memref_slice %arg9[%add3A_11, %dma_wait3A_94] : memref<10240x128xf32, #tpu.memory_space<vmem_shared>> -> memref<128x128xf32, #tpu.memory_space<vmem_shared>>
      %dma_wait3A_96 = arith.constant 0 : i32
      %dma_wait3A_97 = arith.constant 0 : i32
      %dma_wait3A_98 = tpu.memref_slice %arg8[%run_scoped3A, %dma_wait3A_96, %dma_wait3A_97] : memref<2x128x128xf32, #tpu.memory_space<vmem>> -> memref<1x128x128xf32, #tpu.memory_space<vmem>>
      %dma_wait3A_99 = tpu.memref_squeeze %dma_wait3A_98 : memref<1x128x128xf32, #tpu.memory_space<vmem>> -> memref<128x128xf32, #tpu.memory_space<vmem>>
      tpu.wait_dma2 semaphore(%run_scoped3A_76 : memref<!tpu.dma_semaphore, #tpu.memory_space<semaphore_mem>>) src(%dma_wait3A_99 : memref<128x128xf32, #tpu.memory_space<vmem>>) dst(%dma_wait3A_95 : memref<128x128xf32, #tpu.memory_space<vmem_shared>>)
      tpu.yield
    }) : () -> ()
    %add3A_12 = arith.constant 128 : i32
    %add3A_13 = arith.addi %mul3A_9, %add3A_12 : i32
    %run_scoped3A_14 = arith.constant 0 : i32
    "tpu.region"() ({
      %run_scoped3A_76 = tpu.sem_alloc : memref<!tpu.dma_semaphore, #tpu.memory_space<semaphore_mem>>
      %dma_start3A = arith.constant 0 : i32
      %dma_start3A_77 = arith.constant 0 : i32
      %dma_start3A_78 = tpu.memref_slice %arg8[%run_scoped3A_14, %dma_start3A, %dma_start3A_77] : memref<2x128x128xf32, #tpu.memory_space<vmem>> -> memref<1x128x128xf32, #tpu.memory_space<vmem>>
      %dma_start3A_79 = tpu.memref_squeeze %dma_start3A_78 : memref<1x128x128xf32, #tpu.memory_space<vmem>> -> memref<128x128xf32, #tpu.memory_space<vmem>>
      %dma_start3A_80 = arith.constant 0 : i32
      %dma_start3A_81 = tpu.memref_slice %arg9[%add3A_13, %dma_start3A_80] : memref<10240x128xf32, #tpu.memory_space<vmem_shared>> -> memref<128x128xf32, #tpu.memory_space<vmem_shared>>
      %dma_start3A_82 = arith.constant 0 : i32
      %dma_start3A_83 = tpu.memref_slice %arg9[%add3A_13, %dma_start3A_82] : memref<10240x128xf32, #tpu.memory_space<vmem_shared>> -> memref<128x128xf32, #tpu.memory_space<vmem_shared>>
      %dma_start3A_84 = arith.constant 0 : i32
      %dma_start3A_85 = arith.constant 0 : i32
      %dma_start3A_86 = tpu.memref_slice %arg8[%run_scoped3A_14, %dma_start3A_84, %dma_start3A_85] : memref<2x128x128xf32, #tpu.memory_space<vmem>> -> memref<1x128x128xf32, #tpu.memory_space<vmem>>
      %dma_start3A_87 = tpu.memref_squeeze %dma_start3A_86 : memref<1x128x128xf32, #tpu.memory_space<vmem>> -> memref<128x128xf32, #tpu.memory_space<vmem>>
      tpu.enqueue_dma source(%dma_start3A_87 : memref<128x128xf32, #tpu.memory_space<vmem>>) target(%dma_start3A_83 : memref<128x128xf32, #tpu.memory_space<vmem_shared>>) target_semaphore(%run_scoped3A_76 : memref<!tpu.dma_semaphore, #tpu.memory_space<semaphore_mem>>)
      %dma_wait3A_88 = arith.constant 0 : i32
      %dma_wait3A_89 = arith.constant 0 : i32
      %dma_wait3A_90 = tpu.memref_slice %arg8[%run_scoped3A_14, %dma_wait3A_88, %dma_wait3A_89] : memref<2x128x128xf32, #tpu.memory_space<vmem>> -> memref<1x128x128xf32, #tpu.memory_space<vmem>>
      %dma_wait3A_91 = tpu.memref_squeeze %dma_wait3A_90 : memref<1x128x128xf32, #tpu.memory_space<vmem>> -> memref<128x128xf32, #tpu.memory_space<vmem>>
      %dma_wait3A_92 = arith.constant 0 : i32
      %dma_wait3A_93 = tpu.memref_slice %arg9[%add3A_13, %dma_wait3A_92] : memref<10240x128xf32, #tpu.memory_space<vmem_shared>> -> memref<128x128xf32, #tpu.memory_space<vmem_shared>>
      %dma_wait3A_94 = arith.constant 0 : i32
      %dma_wait3A_95 = tpu.memref_slice %arg9[%add3A_13, %dma_wait3A_94] : memref<10240x128xf32, #tpu.memory_space<vmem_shared>> -> memref<128x128xf32, #tpu.memory_space<vmem_shared>>
      %dma_wait3A_96 = arith.constant 0 : i32
      %dma_wait3A_97 = arith.constant 0 : i32
      %dma_wait3A_98 = tpu.memref_slice %arg8[%run_scoped3A_14, %dma_wait3A_96, %dma_wait3A_97] : memref<2x128x128xf32, #tpu.memory_space<vmem>> -> memref<1x128x128xf32, #tpu.memory_space<vmem>>
      %dma_wait3A_99 = tpu.memref_squeeze %dma_wait3A_98 : memref<1x128x128xf32, #tpu.memory_space<vmem>> -> memref<128x128xf32, #tpu.memory_space<vmem>>
      tpu.wait_dma2 semaphore(%run_scoped3A_76 : memref<!tpu.dma_semaphore, #tpu.memory_space<semaphore_mem>>) src(%dma_wait3A_99 : memref<128x128xf32, #tpu.memory_space<vmem>>) dst(%dma_wait3A_95 : memref<128x128xf32, #tpu.memory_space<vmem_shared>>)
      tpu.yield
    }) : () -> ()
    %add3A_15 = arith.constant 256 : i32
    %add3A_16 = arith.addi %mul3A_9, %add3A_15 : i32
    %run_scoped3A_17 = arith.constant 0 : i32
    "tpu.region"() ({
      %run_scoped3A_76 = tpu.sem_alloc : memref<!tpu.dma_semaphore, #tpu.memory_space<semaphore_mem>>
      %dma_start3A = arith.constant 0 : i32
      %dma_start3A_77 = arith.constant 0 : i32
      %dma_start3A_78 = tpu.memref_slice %arg8[%run_scoped3A_17, %dma_start3A, %dma_start3A_77] : memref<2x128x128xf32, #tpu.memory_space<vmem>> -> memref<1x128x128xf32, #tpu.memory_space<vmem>>
      %dma_start3A_79 = tpu.memref_squeeze %dma_start3A_78 : memref<1x128x128xf32, #tpu.memory_space<vmem>> -> memref<128x128xf32, #tpu.memory_space<vmem>>
      %dma_start3A_80 = arith.constant 0 : i32
      %dma_start3A_81 = tpu.memref_slice %arg9[%add3A_16, %dma_start3A_80] : memref<10240x128xf32, #tpu.memory_space<vmem_shared>> -> memref<128x128xf32, #tpu.memory_space<vmem_shared>>
      %dma_start3A_82 = arith.constant 0 : i32
      %dma_start3A_83 = tpu.memref_slice %arg9[%add3A_16, %dma_start3A_82] : memref<10240x128xf32, #tpu.memory_space<vmem_shared>> -> memref<128x128xf32, #tpu.memory_space<vmem_shared>>
      %dma_start3A_84 = arith.constant 0 : i32
      %dma_start3A_85 = arith.constant 0 : i32
      %dma_start3A_86 = tpu.memref_slice %arg8[%run_scoped3A_17, %dma_start3A_84, %dma_start3A_85] : memref<2x128x128xf32, #tpu.memory_space<vmem>> -> memref<1x128x128xf32, #tpu.memory_space<vmem>>
      %dma_start3A_87 = tpu.memref_squeeze %dma_start3A_86 : memref<1x128x128xf32, #tpu.memory_space<vmem>> -> memref<128x128xf32, #tpu.memory_space<vmem>>
      tpu.enqueue_dma source(%dma_start3A_87 : memref<128x128xf32, #tpu.memory_space<vmem>>) target(%dma_start3A_83 : memref<128x128xf32, #tpu.memory_space<vmem_shared>>) target_semaphore(%run_scoped3A_76 : memref<!tpu.dma_semaphore, #tpu.memory_space<semaphore_mem>>)
      %dma_wait3A_88 = arith.constant 0 : i32
      %dma_wait3A_89 = arith.constant 0 : i32
      %dma_wait3A_90 = tpu.memref_slice %arg8[%run_scoped3A_17, %dma_wait3A_88, %dma_wait3A_89] : memref<2x128x128xf32, #tpu.memory_space<vmem>> -> memref<1x128x128xf32, #tpu.memory_space<vmem>>
      %dma_wait3A_91 = tpu.memref_squeeze %dma_wait3A_90 : memref<1x128x128xf32, #tpu.memory_space<vmem>> -> memref<128x128xf32, #tpu.memory_space<vmem>>
      %dma_wait3A_92 = arith.constant 0 : i32
      %dma_wait3A_93 = tpu.memref_slice %arg9[%add3A_16, %dma_wait3A_92] : memref<10240x128xf32, #tpu.memory_space<vmem_shared>> -> memref<128x128xf32, #tpu.memory_space<vmem_shared>>
      %dma_wait3A_94 = arith.constant 0 : i32
      %dma_wait3A_95 = tpu.memref_slice %arg9[%add3A_16, %dma_wait3A_94] : memref<10240x128xf32, #tpu.memory_space<vmem_shared>> -> memref<128x128xf32, #tpu.memory_space<vmem_shared>>
      %dma_wait3A_96 = arith.constant 0 : i32
      %dma_wait3A_97 = arith.constant 0 : i32
      %dma_wait3A_98 = tpu.memref_slice %arg8[%run_scoped3A_17, %dma_wait3A_96, %dma_wait3A_97] : memref<2x128x128xf32, #tpu.memory_space<vmem>> -> memref<1x128x128xf32, #tpu.memory_space<vmem>>
      %dma_wait3A_99 = tpu.memref_squeeze %dma_wait3A_98 : memref<1x128x128xf32, #tpu.memory_space<vmem>> -> memref<128x128xf32, #tpu.memory_space<vmem>>
      tpu.wait_dma2 semaphore(%run_scoped3A_76 : memref<!tpu.dma_semaphore, #tpu.memory_space<semaphore_mem>>) src(%dma_wait3A_99 : memref<128x128xf32, #tpu.memory_space<vmem>>) dst(%dma_wait3A_95 : memref<128x128xf32, #tpu.memory_space<vmem_shared>>)
      tpu.yield
    }) : () -> ()
    %add3A_18 = arith.constant 384 : i32
    %add3A_19 = arith.addi %mul3A_9, %add3A_18 : i32
    %run_scoped3A_20 = arith.constant 0 : i32
    "tpu.region"() ({
      %run_scoped3A_76 = tpu.sem_alloc : memref<!tpu.dma_semaphore, #tpu.memory_space<semaphore_mem>>
      %dma_start3A = arith.constant 0 : i32
      %dma_start3A_77 = arith.constant 0 : i32
      %dma_start3A_78 = tpu.memref_slice %arg8[%run_scoped3A_20, %dma_start3A, %dma_start3A_77] : memref<2x128x128xf32, #tpu.memory_space<vmem>> -> memref<1x128x128xf32, #tpu.memory_space<vmem>>
      %dma_start3A_79 = tpu.memref_squeeze %dma_start3A_78 : memref<1x128x128xf32, #tpu.memory_space<vmem>> -> memref<128x128xf32, #tpu.memory_space<vmem>>
      %dma_start3A_80 = arith.constant 0 : i32
      %dma_start3A_81 = tpu.memref_slice %arg9[%add3A_19, %dma_start3A_80] : memref<10240x128xf32, #tpu.memory_space<vmem_shared>> -> memref<128x128xf32, #tpu.memory_space<vmem_shared>>
      %dma_start3A_82 = arith.constant 0 : i32
      %dma_start3A_83 = tpu.memref_slice %arg9[%add3A_19, %dma_start3A_82] : memref<10240x128xf32, #tpu.memory_space<vmem_shared>> -> memref<128x128xf32, #tpu.memory_space<vmem_shared>>
      %dma_start3A_84 = arith.constant 0 : i32
      %dma_start3A_85 = arith.constant 0 : i32
      %dma_start3A_86 = tpu.memref_slice %arg8[%run_scoped3A_20, %dma_start3A_84, %dma_start3A_85] : memref<2x128x128xf32, #tpu.memory_space<vmem>> -> memref<1x128x128xf32, #tpu.memory_space<vmem>>
      %dma_start3A_87 = tpu.memref_squeeze %dma_start3A_86 : memref<1x128x128xf32, #tpu.memory_space<vmem>> -> memref<128x128xf32, #tpu.memory_space<vmem>>
      tpu.enqueue_dma source(%dma_start3A_87 : memref<128x128xf32, #tpu.memory_space<vmem>>) target(%dma_start3A_83 : memref<128x128xf32, #tpu.memory_space<vmem_shared>>) target_semaphore(%run_scoped3A_76 : memref<!tpu.dma_semaphore, #tpu.memory_space<semaphore_mem>>)
      %dma_wait3A_88 = arith.constant 0 : i32
      %dma_wait3A_89 = arith.constant 0 : i32
      %dma_wait3A_90 = tpu.memref_slice %arg8[%run_scoped3A_20, %dma_wait3A_88, %dma_wait3A_89] : memref<2x128x128xf32, #tpu.memory_space<vmem>> -> memref<1x128x128xf32, #tpu.memory_space<vmem>>
      %dma_wait3A_91 = tpu.memref_squeeze %dma_wait3A_90 : memref<1x128x128xf32, #tpu.memory_space<vmem>> -> memref<128x128xf32, #tpu.memory_space<vmem>>
      %dma_wait3A_92 = arith.constant 0 : i32
      %dma_wait3A_93 = tpu.memref_slice %arg9[%add3A_19, %dma_wait3A_92] : memref<10240x128xf32, #tpu.memory_space<vmem_shared>> -> memref<128x128xf32, #tpu.memory_space<vmem_shared>>
      %dma_wait3A_94 = arith.constant 0 : i32
      %dma_wait3A_95 = tpu.memref_slice %arg9[%add3A_19, %dma_wait3A_94] : memref<10240x128xf32, #tpu.memory_space<vmem_shared>> -> memref<128x128xf32, #tpu.memory_space<vmem_shared>>
      %dma_wait3A_96 = arith.constant 0 : i32
      %dma_wait3A_97 = arith.constant 0 : i32
      %dma_wait3A_98 = tpu.memref_slice %arg8[%run_scoped3A_20, %dma_wait3A_96, %dma_wait3A_97] : memref<2x128x128xf32, #tpu.memory_space<vmem>> -> memref<1x128x128xf32, #tpu.memory_space<vmem>>
      %dma_wait3A_99 = tpu.memref_squeeze %dma_wait3A_98 : memref<1x128x128xf32, #tpu.memory_space<vmem>> -> memref<128x128xf32, #tpu.memory_space<vmem>>
      tpu.wait_dma2 semaphore(%run_scoped3A_76 : memref<!tpu.dma_semaphore, #tpu.memory_space<semaphore_mem>>) src(%dma_wait3A_99 : memref<128x128xf32, #tpu.memory_space<vmem>>) dst(%dma_wait3A_95 : memref<128x128xf32, #tpu.memory_space<vmem_shared>>)
      tpu.yield
    }) : () -> ()
    %add3A_21 = arith.constant 512 : i32
    %add3A_22 = arith.addi %mul3A_9, %add3A_21 : i32
    %run_scoped3A_23 = arith.constant 0 : i32
    "tpu.region"() ({
      %run_scoped3A_76 = tpu.sem_alloc : memref<!tpu.dma_semaphore, #tpu.memory_space<semaphore_mem>>
      %dma_start3A = arith.constant 0 : i32
      %dma_start3A_77 = arith.constant 0 : i32
      %dma_start3A_78 = tpu.memref_slice %arg8[%run_scoped3A_23, %dma_start3A, %dma_start3A_77] : memref<2x128x128xf32, #tpu.memory_space<vmem>> -> memref<1x128x128xf32, #tpu.memory_space<vmem>>
      %dma_start3A_79 = tpu.memref_squeeze %dma_start3A_78 : memref<1x128x128xf32, #tpu.memory_space<vmem>> -> memref<128x128xf32, #tpu.memory_space<vmem>>
      %dma_start3A_80 = arith.constant 0 : i32
      %dma_start3A_81 = tpu.memref_slice %arg9[%add3A_22, %dma_start3A_80] : memref<10240x128xf32, #tpu.memory_space<vmem_shared>> -> memref<128x128xf32, #tpu.memory_space<vmem_shared>>
      %dma_start3A_82 = arith.constant 0 : i32
      %dma_start3A_83 = tpu.memref_slice %arg9[%add3A_22, %dma_start3A_82] : memref<10240x128xf32, #tpu.memory_space<vmem_shared>> -> memref<128x128xf32, #tpu.memory_space<vmem_shared>>
      %dma_start3A_84 = arith.constant 0 : i32
      %dma_start3A_85 = arith.constant 0 : i32
      %dma_start3A_86 = tpu.memref_slice %arg8[%run_scoped3A_23, %dma_start3A_84, %dma_start3A_85] : memref<2x128x128xf32, #tpu.memory_space<vmem>> -> memref<1x128x128xf32, #tpu.memory_space<vmem>>
      %dma_start3A_87 = tpu.memref_squeeze %dma_start3A_86 : memref<1x128x128xf32, #tpu.memory_space<vmem>> -> memref<128x128xf32, #tpu.memory_space<vmem>>
      tpu.enqueue_dma source(%dma_start3A_87 : memref<128x128xf32, #tpu.memory_space<vmem>>) target(%dma_start3A_83 : memref<128x128xf32, #tpu.memory_space<vmem_shared>>) target_semaphore(%run_scoped3A_76 : memref<!tpu.dma_semaphore, #tpu.memory_space<semaphore_mem>>)
      %dma_wait3A_88 = arith.constant 0 : i32
      %dma_wait3A_89 = arith.constant 0 : i32
      %dma_wait3A_90 = tpu.memref_slice %arg8[%run_scoped3A_23, %dma_wait3A_88, %dma_wait3A_89] : memref<2x128x128xf32, #tpu.memory_space<vmem>> -> memref<1x128x128xf32, #tpu.memory_space<vmem>>
      %dma_wait3A_91 = tpu.memref_squeeze %dma_wait3A_90 : memref<1x128x128xf32, #tpu.memory_space<vmem>> -> memref<128x128xf32, #tpu.memory_space<vmem>>
      %dma_wait3A_92 = arith.constant 0 : i32
      %dma_wait3A_93 = tpu.memref_slice %arg9[%add3A_22, %dma_wait3A_92] : memref<10240x128xf32, #tpu.memory_space<vmem_shared>> -> memref<128x128xf32, #tpu.memory_space<vmem_shared>>
      %dma_wait3A_94 = arith.constant 0 : i32
      %dma_wait3A_95 = tpu.memref_slice %arg9[%add3A_22, %dma_wait3A_94] : memref<10240x128xf32, #tpu.memory_space<vmem_shared>> -> memref<128x128xf32, #tpu.memory_space<vmem_shared>>
      %dma_wait3A_96 = arith.constant 0 : i32
      %dma_wait3A_97 = arith.constant 0 : i32
      %dma_wait3A_98 = tpu.memref_slice %arg8[%run_scoped3A_23, %dma_wait3A_96, %dma_wait3A_97] : memref<2x128x128xf32, #tpu.memory_space<vmem>> -> memref<1x128x128xf32, #tpu.memory_space<vmem>>
      %dma_wait3A_99 = tpu.memref_squeeze %dma_wait3A_98 : memref<1x128x128xf32, #tpu.memory_space<vmem>> -> memref<128x128xf32, #tpu.memory_space<vmem>>
      tpu.wait_dma2 semaphore(%run_scoped3A_76 : memref<!tpu.dma_semaphore, #tpu.memory_space<semaphore_mem>>) src(%dma_wait3A_99 : memref<128x128xf32, #tpu.memory_space<vmem>>) dst(%dma_wait3A_95 : memref<128x128xf32, #tpu.memory_space<vmem_shared>>)
      tpu.yield
    }) : () -> ()
    %barrier3A = arith.constant 0 : index
    tpu.barrier barrier_id(%barrier3A)
    %lt3A = arith.constant 4 : i32
    %lt3A_24 = arith.cmpi slt, %add3A, %lt3A : i32
    %jit3A = arith.constant 79 : i32
    %jit3A_25 = arith.constant 78 : i32
    %select_n3A = arith.select %lt3A_24, %jit3A, %jit3A_25 : i32
    %scan3A_26 = arith.constant 0 : i32
    %scan3A_27 = arith.constant 0 : i32
    %scan3A_28 = arith.constant 40 : i32
    %scan3A_29 = arith.addi %scan3A_27, %scan3A_28 : i32
    %scan3A_30 = arith.constant 1 : i32
    scf.for %scan3A_76 = %scan3A_27 to %scan3A_29 step %scan3A_30  : i32 {
      %mul3A_77 = arith.constant 2 : i32
      %mul3A_78 = arith.muli %scan3A_76, %mul3A_77 : i32
      %add3A_79 = arith.constant 0 : i32
      %add3A_80 = arith.addi %mul3A_78, %add3A_79 : i32
      %lt3A_81 = arith.cmpi slt, %add3A_80, %select_n3A : i32
      %convert_element_type3A = arith.extui %lt3A_81 : i1 to i32
      %cond3A = arith.constant 0 : i32
      %cond3A_82 = arith.cmpi ne, %convert_element_type3A, %cond3A : i32
      scf.if %cond3A_82 {
        %mul3A_106 = arith.constant 32 : i32
        %mul3A_107 = arith.muli %add3A_80, %mul3A_106 : i32
        %add3A_108 = arith.addi %mul3A_107, %add3A : i32
        %mul3A_109 = arith.constant 128 : i32
        %mul3A_110 = arith.muli %add3A_108, %mul3A_109 : i32
        %ge3A_111 = arith.constant 2 : i32
        %ge3A_112 = arith.cmpi sge, %add3A_80, %ge3A_111 : i32
        %convert_element_type3A_113 = arith.extui %ge3A_112 : i1 to i32
        %cond3A_114 = arith.constant 0 : i32
        %cond3A_115 = arith.cmpi ne, %convert_element_type3A_113, %cond3A_114 : i32
        scf.if %cond3A_115 {
          %dma_wait3A_163 = arith.constant 0 : i32
          %dma_wait3A_164 = arith.constant 0 : i32
          %dma_wait3A_165 = arith.constant 0 : i32
          %dma_wait3A_166 = arith.constant 0 : i32
          %dma_wait3A_167 = tpu.memref_slice %arg8[%dma_wait3A_163, %dma_wait3A_165, %dma_wait3A_166] : memref<2x128x128xf32, #tpu.memory_space<vmem>> -> memref<1x128x128xf32, #tpu.memory_space<vmem>>
          %dma_wait3A_168 = tpu.memref_squeeze %dma_wait3A_167 : memref<1x128x128xf32, #tpu.memory_space<vmem>> -> memref<128x128xf32, #tpu.memory_space<vmem>>
          %dma_wait3A_169 = arith.constant 0 : i32
          %dma_wait3A_170 = tpu.memref_slice %arg7[%dma_wait3A_164, %dma_wait3A_169] : memref<2x128xi32, #tpu.memory_space<vmem>> -> memref<1x128xi32, #tpu.memory_space<vmem>>
          %dma_wait3A_171 = tpu.memref_squeeze %dma_wait3A_170 : memref<1x128xi32, #tpu.memory_space<vmem>> -> memref<128xi32, #tpu.memory_space<vmem>>
          %dma_wait3A_172 = arith.constant 0 : i32
          %dma_wait3A_173 = arith.constant 0 : i32
          %dma_wait3A_174 = tpu.memref_slice %arg9[%dma_wait3A_172, %dma_wait3A_173] : memref<10240x128xf32, #tpu.memory_space<vmem_shared>> -> memref<10240x128xf32, #tpu.memory_space<vmem_shared>>
          tpu.wait_indirect_dma semaphore(%arg13 : memref<!tpu.dma_semaphore, #tpu.memory_space<semaphore_mem>>) src(%dma_wait3A_168 : memref<128x128xf32, #tpu.memory_space<vmem>>) dst(%dma_wait3A_174 : memref<10240x128xf32, #tpu.memory_space<vmem_shared>>)
        } else {
        }
        %dma_start3A = arith.constant 0 : i32
        %dma_start3A_116 = arith.constant 0 : i32
        %dma_start3A_117 = tpu.memref_slice %arg7[%dma_start3A, %dma_start3A_116] : memref<2x128xi32, #tpu.memory_space<vmem>> -> memref<1x128xi32, #tpu.memory_space<vmem>>
        %dma_start3A_118 = tpu.memref_squeeze %dma_start3A_117 : memref<1x128xi32, #tpu.memory_space<vmem>> -> memref<128xi32, #tpu.memory_space<vmem>>
        %dma_start3A_119 = tpu.memref_slice %arg4[%mul3A_110] : memref<320000xi32, #tpu.memory_space<hbm>> -> memref<128xi32, #tpu.memory_space<hbm>>
        %dma_start3A_120 = arith.constant 0 : i32
        %dma_start3A_121 = tpu.memref_slice %arg7[%dma_start3A, %dma_start3A_120] : memref<2x128xi32, #tpu.memory_space<vmem>> -> memref<1x128xi32, #tpu.memory_space<vmem>>
        %dma_start3A_122 = tpu.memref_squeeze %dma_start3A_121 : memref<1x128xi32, #tpu.memory_space<vmem>> -> memref<128xi32, #tpu.memory_space<vmem>>
        %dma_start3A_123 = tpu.memref_slice %arg4[%mul3A_110] : memref<320000xi32, #tpu.memory_space<hbm>> -> memref<128xi32, #tpu.memory_space<hbm>>
        tpu.enqueue_dma source(%dma_start3A_123 : memref<128xi32, #tpu.memory_space<hbm>>) target(%dma_start3A_122 : memref<128xi32, #tpu.memory_space<vmem>>) target_semaphore(%arg10 : memref<!tpu.dma_semaphore, #tpu.memory_space<semaphore_mem>>)
        %dma_start3A_124 = arith.constant 0 : i32
        %dma_start3A_125 = arith.constant 0 : i32
        %dma_start3A_126 = tpu.memref_slice %arg6[%dma_start3A_124, %dma_start3A_125] : memref<2x128xi32, #tpu.memory_space<vmem>> -> memref<1x128xi32, #tpu.memory_space<vmem>>
        %dma_start3A_127 = tpu.memref_squeeze %dma_start3A_126 : memref<1x128xi32, #tpu.memory_space<vmem>> -> memref<128xi32, #tpu.memory_space<vmem>>
        %dma_start3A_128 = tpu.memref_slice %arg3[%mul3A_110] : memref<320000xi32, #tpu.memory_space<hbm>> -> memref<128xi32, #tpu.memory_space<hbm>>
        %dma_start3A_129 = arith.constant 0 : i32
        %dma_start3A_130 = tpu.memref_slice %arg6[%dma_start3A_124, %dma_start3A_129] : memref<2x128xi32, #tpu.memory_space<vmem>> -> memref<1x128xi32, #tpu.memory_space<vmem>>
        %dma_start3A_131 = tpu.memref_squeeze %dma_start3A_130 : memref<1x128xi32, #tpu.memory_space<vmem>> -> memref<128xi32, #tpu.memory_space<vmem>>
        %dma_start3A_132 = tpu.memref_slice %arg3[%mul3A_110] : memref<320000xi32, #tpu.memory_space<hbm>> -> memref<128xi32, #tpu.memory_space<hbm>>
        tpu.enqueue_dma source(%dma_start3A_132 : memref<128xi32, #tpu.memory_space<hbm>>) target(%dma_start3A_131 : memref<128xi32, #tpu.memory_space<vmem>>) target_semaphore(%arg10 : memref<!tpu.dma_semaphore, #tpu.memory_space<semaphore_mem>>)
        %dma_wait3A_133 = arith.constant 0 : i32
        %dma_wait3A_134 = arith.constant 0 : i32
        %dma_wait3A_135 = tpu.memref_slice %arg6[%dma_wait3A_133, %dma_wait3A_134] : memref<2x128xi32, #tpu.memory_space<vmem>> -> memref<1x128xi32, #tpu.memory_space<vmem>>
        %dma_wait3A_136 = tpu.memref_squeeze %dma_wait3A_135 : memref<1x128xi32, #tpu.memory_space<vmem>> -> memref<128xi32, #tpu.memory_space<vmem>>
        %dma_wait3A_137 = tpu.memref_slice %arg3[%mul3A_110] : memref<320000xi32, #tpu.memory_space<hbm>> -> memref<128xi32, #tpu.memory_space<hbm>>
        %dma_wait3A_138 = arith.constant 0 : i32
        %dma_wait3A_139 = tpu.memref_slice %arg6[%dma_wait3A_133, %dma_wait3A_138] : memref<2x128xi32, #tpu.memory_space<vmem>> -> memref<1x128xi32, #tpu.memory_space<vmem>>
        %dma_wait3A_140 = tpu.memref_squeeze %dma_wait3A_139 : memref<1x128xi32, #tpu.memory_space<vmem>> -> memref<128xi32, #tpu.memory_space<vmem>>
        %dma_wait3A_141 = tpu.memref_slice %arg3[%mul3A_110] : memref<320000xi32, #tpu.memory_space<hbm>> -> memref<128xi32, #tpu.memory_space<hbm>>
        tpu.wait_dma2 semaphore(%arg10 : memref<!tpu.dma_semaphore, #tpu.memory_space<semaphore_mem>>) src(%dma_wait3A_141 : memref<128xi32, #tpu.memory_space<hbm>>) dst(%dma_wait3A_140 : memref<128xi32, #tpu.memory_space<vmem>>)
        %dma_wait3A_142 = arith.constant 0 : i32
        %dma_wait3A_143 = arith.constant 0 : i32
        %dma_wait3A_144 = tpu.memref_slice %arg7[%dma_wait3A_142, %dma_wait3A_143] : memref<2x128xi32, #tpu.memory_space<vmem>> -> memref<1x128xi32, #tpu.memory_space<vmem>>
        %dma_wait3A_145 = tpu.memref_squeeze %dma_wait3A_144 : memref<1x128xi32, #tpu.memory_space<vmem>> -> memref<128xi32, #tpu.memory_space<vmem>>
        %dma_wait3A_146 = tpu.memref_slice %arg4[%mul3A_110] : memref<320000xi32, #tpu.memory_space<hbm>> -> memref<128xi32, #tpu.memory_space<hbm>>
        %dma_wait3A_147 = arith.constant 0 : i32
        %dma_wait3A_148 = tpu.memref_slice %arg7[%dma_wait3A_142, %dma_wait3A_147] : memref<2x128xi32, #tpu.memory_space<vmem>> -> memref<1x128xi32, #tpu.memory_space<vmem>>
        %dma_wait3A_149 = tpu.memref_squeeze %dma_wait3A_148 : memref<1x128xi32, #tpu.memory_space<vmem>> -> memref<128xi32, #tpu.memory_space<vmem>>
        %dma_wait3A_150 = tpu.memref_slice %arg4[%mul3A_110] : memref<320000xi32, #tpu.memory_space<hbm>> -> memref<128xi32, #tpu.memory_space<hbm>>
        tpu.wait_dma2 semaphore(%arg10 : memref<!tpu.dma_semaphore, #tpu.memory_space<semaphore_mem>>) src(%dma_wait3A_150 : memref<128xi32, #tpu.memory_space<hbm>>) dst(%dma_wait3A_149 : memref<128xi32, #tpu.memory_space<vmem>>)
        %dma_start3A_151 = arith.constant 0 : i32
        %dma_start3A_152 = arith.constant 0 : i32
        %dma_start3A_153 = arith.constant 0 : i32
        %dma_start3A_154 = arith.constant 0 : i32
        %dma_start3A_155 = tpu.memref_slice %arg8[%dma_start3A_152, %dma_start3A_153, %dma_start3A_154] : memref<2x128x128xf32, #tpu.memory_space<vmem>> -> memref<1x128x128xf32, #tpu.memory_space<vmem>>
        %dma_start3A_156 = tpu.memref_squeeze %dma_start3A_155 : memref<1x128x128xf32, #tpu.memory_space<vmem>> -> memref<128x128xf32, #tpu.memory_space<vmem>>
        %dma_start3A_157 = arith.constant 0 : i32
        %dma_start3A_158 = tpu.memref_slice %arg6[%dma_start3A_151, %dma_start3A_157] : memref<2x128xi32, #tpu.memory_space<vmem>> -> memref<1x128xi32, #tpu.memory_space<vmem>>
        %dma_start3A_159 = tpu.memref_squeeze %dma_start3A_158 : memref<1x128xi32, #tpu.memory_space<vmem>> -> memref<128xi32, #tpu.memory_space<vmem>>
        %dma_start3A_160 = arith.constant 0 : i32
        %dma_start3A_161 = arith.constant 0 : i32
        %dma_start3A_162 = tpu.memref_slice %arg2[%dma_start3A_160, %dma_start3A_161] : memref<10000x128xf32, #tpu.memory_space<hbm>> -> memref<10000x128xf32, #tpu.memory_space<hbm>>
        tpu.enqueue_indirect_dma source(%dma_start3A_162 : memref<10000x128xf32, #tpu.memory_space<hbm>>) target(%dma_start3A_156 : memref<128x128xf32, #tpu.memory_space<vmem>>) offsets(%dma_start3A_159 : memref<128xi32, #tpu.memory_space<vmem>>) semaphore(%arg11 : memref<!tpu.dma_semaphore, #tpu.memory_space<semaphore_mem>>)
      } else {
      }
      %ge3A = arith.constant 1 : i32
      %ge3A_83 = arith.cmpi sge, %add3A_80, %ge3A : i32
      %sub3A = arith.constant 1 : i32
      %sub3A_84 = arith.subi %add3A_80, %sub3A : i32
      %lt3A_85 = arith.cmpi slt, %sub3A_84, %select_n3A : i32
      %and3A = arith.andi %ge3A_83, %lt3A_85 : i1
      %convert_element_type3A_86 = arith.extui %and3A : i1 to i32
      %cond3A_87 = arith.constant 0 : i32
      %cond3A_88 = arith.cmpi ne, %convert_element_type3A_86, %cond3A_87 : i32
      scf.if %cond3A_88 {
        %dma_wait3A_106 = arith.constant 1 : i32
        %dma_wait3A_107 = arith.constant 1 : i32
        %dma_wait3A_108 = arith.constant 0 : i32
        %dma_wait3A_109 = arith.constant 0 : i32
        %dma_wait3A_110 = tpu.memref_slice %arg8[%dma_wait3A_107, %dma_wait3A_108, %dma_wait3A_109] : memref<2x128x128xf32, #tpu.memory_space<vmem>> -> memref<1x128x128xf32, #tpu.memory_space<vmem>>
        %dma_wait3A_111 = tpu.memref_squeeze %dma_wait3A_110 : memref<1x128x128xf32, #tpu.memory_space<vmem>> -> memref<128x128xf32, #tpu.memory_space<vmem>>
        %dma_wait3A_112 = arith.constant 0 : i32
        %dma_wait3A_113 = tpu.memref_slice %arg6[%dma_wait3A_106, %dma_wait3A_112] : memref<2x128xi32, #tpu.memory_space<vmem>> -> memref<1x128xi32, #tpu.memory_space<vmem>>
        %dma_wait3A_114 = tpu.memref_squeeze %dma_wait3A_113 : memref<1x128xi32, #tpu.memory_space<vmem>> -> memref<128xi32, #tpu.memory_space<vmem>>
        %dma_wait3A_115 = arith.constant 0 : i32
        %dma_wait3A_116 = arith.constant 0 : i32
        %dma_wait3A_117 = tpu.memref_slice %arg2[%dma_wait3A_115, %dma_wait3A_116] : memref<10000x128xf32, #tpu.memory_space<hbm>> -> memref<10000x128xf32, #tpu.memory_space<hbm>>
        tpu.wait_indirect_dma semaphore(%arg12 : memref<!tpu.dma_semaphore, #tpu.memory_space<semaphore_mem>>) src(%dma_wait3A_117 : memref<10000x128xf32, #tpu.memory_space<hbm>>) dst(%dma_wait3A_111 : memref<128x128xf32, #tpu.memory_space<vmem>>)
        %dma_start3A = arith.constant 1 : i32
        %dma_start3A_118 = arith.constant 1 : i32
        %dma_start3A_119 = arith.constant 0 : i32
        %dma_start3A_120 = arith.constant 0 : i32
        %dma_start3A_121 = tpu.memref_slice %arg8[%dma_start3A, %dma_start3A_119, %dma_start3A_120] : memref<2x128x128xf32, #tpu.memory_space<vmem>> -> memref<1x128x128xf32, #tpu.memory_space<vmem>>
        %dma_start3A_122 = tpu.memref_squeeze %dma_start3A_121 : memref<1x128x128xf32, #tpu.memory_space<vmem>> -> memref<128x128xf32, #tpu.memory_space<vmem>>
        %dma_start3A_123 = arith.constant 0 : i32
        %dma_start3A_124 = tpu.memref_slice %arg7[%dma_start3A_118, %dma_start3A_123] : memref<2x128xi32, #tpu.memory_space<vmem>> -> memref<1x128xi32, #tpu.memory_space<vmem>>
        %dma_start3A_125 = tpu.memref_squeeze %dma_start3A_124 : memref<1x128xi32, #tpu.memory_space<vmem>> -> memref<128xi32, #tpu.memory_space<vmem>>
        %dma_start3A_126 = arith.constant 0 : i32
        %dma_start3A_127 = arith.constant 0 : i32
        %dma_start3A_128 = tpu.memref_slice %arg9[%dma_start3A_126, %dma_start3A_127] : memref<10240x128xf32, #tpu.memory_space<vmem_shared>> -> memref<10240x128xf32, #tpu.memory_space<vmem_shared>>
        tpu.enqueue_indirect_dma source(%dma_start3A_122 : memref<128x128xf32, #tpu.memory_space<vmem>>) target(%dma_start3A_128 : memref<10240x128xf32, #tpu.memory_space<vmem_shared>>) offsets(%dma_start3A_125 : memref<128xi32, #tpu.memory_space<vmem>>) semaphore(%arg14 : memref<!tpu.dma_semaphore, #tpu.memory_space<semaphore_mem>>) {add = true}
      } else {
      }
      %mul3A_89 = arith.constant 2 : i32
      %mul3A_90 = arith.muli %scan3A_76, %mul3A_89 : i32
      %add3A_91 = arith.constant 1 : i32
      %add3A_92 = arith.addi %mul3A_90, %add3A_91 : i32
      %lt3A_93 = arith.cmpi slt, %add3A_92, %select_n3A : i32
      %convert_element_type3A_94 = arith.extui %lt3A_93 : i1 to i32
      %cond3A_95 = arith.constant 0 : i32
      %cond3A_96 = arith.cmpi ne, %convert_element_type3A_94, %cond3A_95 : i32
      scf.if %cond3A_96 {
        %mul3A_106 = arith.constant 32 : i32
        %mul3A_107 = arith.muli %add3A_92, %mul3A_106 : i32
        %add3A_108 = arith.addi %mul3A_107, %add3A : i32
        %mul3A_109 = arith.constant 128 : i32
        %mul3A_110 = arith.muli %add3A_108, %mul3A_109 : i32
        %ge3A_111 = arith.constant 2 : i32
        %ge3A_112 = arith.cmpi sge, %add3A_92, %ge3A_111 : i32
        %convert_element_type3A_113 = arith.extui %ge3A_112 : i1 to i32
        %cond3A_114 = arith.constant 0 : i32
        %cond3A_115 = arith.cmpi ne, %convert_element_type3A_113, %cond3A_114 : i32
        scf.if %cond3A_115 {
          %dma_wait3A_163 = arith.constant 1 : i32
          %dma_wait3A_164 = arith.constant 1 : i32
          %dma_wait3A_165 = arith.constant 0 : i32
          %dma_wait3A_166 = arith.constant 0 : i32
          %dma_wait3A_167 = tpu.memref_slice %arg8[%dma_wait3A_163, %dma_wait3A_165, %dma_wait3A_166] : memref<2x128x128xf32, #tpu.memory_space<vmem>> -> memref<1x128x128xf32, #tpu.memory_space<vmem>>
          %dma_wait3A_168 = tpu.memref_squeeze %dma_wait3A_167 : memref<1x128x128xf32, #tpu.memory_space<vmem>> -> memref<128x128xf32, #tpu.memory_space<vmem>>
          %dma_wait3A_169 = arith.constant 0 : i32
          %dma_wait3A_170 = tpu.memref_slice %arg7[%dma_wait3A_164, %dma_wait3A_169] : memref<2x128xi32, #tpu.memory_space<vmem>> -> memref<1x128xi32, #tpu.memory_space<vmem>>
          %dma_wait3A_171 = tpu.memref_squeeze %dma_wait3A_170 : memref<1x128xi32, #tpu.memory_space<vmem>> -> memref<128xi32, #tpu.memory_space<vmem>>
          %dma_wait3A_172 = arith.constant 0 : i32
          %dma_wait3A_173 = arith.constant 0 : i32
          %dma_wait3A_174 = tpu.memref_slice %arg9[%dma_wait3A_172, %dma_wait3A_173] : memref<10240x128xf32, #tpu.memory_space<vmem_shared>> -> memref<10240x128xf32, #tpu.memory_space<vmem_shared>>
          tpu.wait_indirect_dma semaphore(%arg14 : memref<!tpu.dma_semaphore, #tpu.memory_space<semaphore_mem>>) src(%dma_wait3A_168 : memref<128x128xf32, #tpu.memory_space<vmem>>) dst(%dma_wait3A_174 : memref<10240x128xf32, #tpu.memory_space<vmem_shared>>)
        } else {
        }
        %dma_start3A = arith.constant 1 : i32
        %dma_start3A_116 = arith.constant 0 : i32
        %dma_start3A_117 = tpu.memref_slice %arg7[%dma_start3A, %dma_start3A_116] : memref<2x128xi32, #tpu.memory_space<vmem>> -> memref<1x128xi32, #tpu.memory_space<vmem>>
        %dma_start3A_118 = tpu.memref_squeeze %dma_start3A_117 : memref<1x128xi32, #tpu.memory_space<vmem>> -> memref<128xi32, #tpu.memory_space<vmem>>
        %dma_start3A_119 = tpu.memref_slice %arg4[%mul3A_110] : memref<320000xi32, #tpu.memory_space<hbm>> -> memref<128xi32, #tpu.memory_space<hbm>>
        %dma_start3A_120 = arith.constant 0 : i32
        %dma_start3A_121 = tpu.memref_slice %arg7[%dma_start3A, %dma_start3A_120] : memref<2x128xi32, #tpu.memory_space<vmem>> -> memref<1x128xi32, #tpu.memory_space<vmem>>
        %dma_start3A_122 = tpu.memref_squeeze %dma_start3A_121 : memref<1x128xi32, #tpu.memory_space<vmem>> -> memref<128xi32, #tpu.memory_space<vmem>>
        %dma_start3A_123 = tpu.memref_slice %arg4[%mul3A_110] : memref<320000xi32, #tpu.memory_space<hbm>> -> memref<128xi32, #tpu.memory_space<hbm>>
        tpu.enqueue_dma source(%dma_start3A_123 : memref<128xi32, #tpu.memory_space<hbm>>) target(%dma_start3A_122 : memref<128xi32, #tpu.memory_space<vmem>>) target_semaphore(%arg10 : memref<!tpu.dma_semaphore, #tpu.memory_space<semaphore_mem>>)
        %dma_start3A_124 = arith.constant 1 : i32
        %dma_start3A_125 = arith.constant 0 : i32
        %dma_start3A_126 = tpu.memref_slice %arg6[%dma_start3A_124, %dma_start3A_125] : memref<2x128xi32, #tpu.memory_space<vmem>> -> memref<1x128xi32, #tpu.memory_space<vmem>>
        %dma_start3A_127 = tpu.memref_squeeze %dma_start3A_126 : memref<1x128xi32, #tpu.memory_space<vmem>> -> memref<128xi32, #tpu.memory_space<vmem>>
        %dma_start3A_128 = tpu.memref_slice %arg3[%mul3A_110] : memref<320000xi32, #tpu.memory_space<hbm>> -> memref<128xi32, #tpu.memory_space<hbm>>
        %dma_start3A_129 = arith.constant 0 : i32
        %dma_start3A_130 = tpu.memref_slice %arg6[%dma_start3A_124, %dma_start3A_129] : memref<2x128xi32, #tpu.memory_space<vmem>> -> memref<1x128xi32, #tpu.memory_space<vmem>>
        %dma_start3A_131 = tpu.memref_squeeze %dma_start3A_130 : memref<1x128xi32, #tpu.memory_space<vmem>> -> memref<128xi32, #tpu.memory_space<vmem>>
        %dma_start3A_132 = tpu.memref_slice %arg3[%mul3A_110] : memref<320000xi32, #tpu.memory_space<hbm>> -> memref<128xi32, #tpu.memory_space<hbm>>
        tpu.enqueue_dma source(%dma_start3A_132 : memref<128xi32, #tpu.memory_space<hbm>>) target(%dma_start3A_131 : memref<128xi32, #tpu.memory_space<vmem>>) target_semaphore(%arg10 : memref<!tpu.dma_semaphore, #tpu.memory_space<semaphore_mem>>)
        %dma_wait3A_133 = arith.constant 1 : i32
        %dma_wait3A_134 = arith.constant 0 : i32
        %dma_wait3A_135 = tpu.memref_slice %arg6[%dma_wait3A_133, %dma_wait3A_134] : memref<2x128xi32, #tpu.memory_space<vmem>> -> memref<1x128xi32, #tpu.memory_space<vmem>>
        %dma_wait3A_136 = tpu.memref_squeeze %dma_wait3A_135 : memref<1x128xi32, #tpu.memory_space<vmem>> -> memref<128xi32, #tpu.memory_space<vmem>>
        %dma_wait3A_137 = tpu.memref_slice %arg3[%mul3A_110] : memref<320000xi32, #tpu.memory_space<hbm>> -> memref<128xi32, #tpu.memory_space<hbm>>
        %dma_wait3A_138 = arith.constant 0 : i32
        %dma_wait3A_139 = tpu.memref_slice %arg6[%dma_wait3A_133, %dma_wait3A_138] : memref<2x128xi32, #tpu.memory_space<vmem>> -> memref<1x128xi32, #tpu.memory_space<vmem>>
        %dma_wait3A_140 = tpu.memref_squeeze %dma_wait3A_139 : memref<1x128xi32, #tpu.memory_space<vmem>> -> memref<128xi32, #tpu.memory_space<vmem>>
        %dma_wait3A_141 = tpu.memref_slice %arg3[%mul3A_110] : memref<320000xi32, #tpu.memory_space<hbm>> -> memref<128xi32, #tpu.memory_space<hbm>>
        tpu.wait_dma2 semaphore(%arg10 : memref<!tpu.dma_semaphore, #tpu.memory_space<semaphore_mem>>) src(%dma_wait3A_141 : memref<128xi32, #tpu.memory_space<hbm>>) dst(%dma_wait3A_140 : memref<128xi32, #tpu.memory_space<vmem>>)
        %dma_wait3A_142 = arith.constant 1 : i32
        %dma_wait3A_143 = arith.constant 0 : i32
        %dma_wait3A_144 = tpu.memref_slice %arg7[%dma_wait3A_142, %dma_wait3A_143] : memref<2x128xi32, #tpu.memory_space<vmem>> -> memref<1x128xi32, #tpu.memory_space<vmem>>
        %dma_wait3A_145 = tpu.memref_squeeze %dma_wait3A_144 : memref<1x128xi32, #tpu.memory_space<vmem>> -> memref<128xi32, #tpu.memory_space<vmem>>
        %dma_wait3A_146 = tpu.memref_slice %arg4[%mul3A_110] : memref<320000xi32, #tpu.memory_space<hbm>> -> memref<128xi32, #tpu.memory_space<hbm>>
        %dma_wait3A_147 = arith.constant 0 : i32
        %dma_wait3A_148 = tpu.memref_slice %arg7[%dma_wait3A_142, %dma_wait3A_147] : memref<2x128xi32, #tpu.memory_space<vmem>> -> memref<1x128xi32, #tpu.memory_space<vmem>>
        %dma_wait3A_149 = tpu.memref_squeeze %dma_wait3A_148 : memref<1x128xi32, #tpu.memory_space<vmem>> -> memref<128xi32, #tpu.memory_space<vmem>>
        %dma_wait3A_150 = tpu.memref_slice %arg4[%mul3A_110] : memref<320000xi32, #tpu.memory_space<hbm>> -> memref<128xi32, #tpu.memory_space<hbm>>
        tpu.wait_dma2 semaphore(%arg10 : memref<!tpu.dma_semaphore, #tpu.memory_space<semaphore_mem>>) src(%dma_wait3A_150 : memref<128xi32, #tpu.memory_space<hbm>>) dst(%dma_wait3A_149 : memref<128xi32, #tpu.memory_space<vmem>>)
        %dma_start3A_151 = arith.constant 1 : i32
        %dma_start3A_152 = arith.constant 1 : i32
        %dma_start3A_153 = arith.constant 0 : i32
        %dma_start3A_154 = arith.constant 0 : i32
        %dma_start3A_155 = tpu.memref_slice %arg8[%dma_start3A_152, %dma_start3A_153, %dma_start3A_154] : memref<2x128x128xf32, #tpu.memory_space<vmem>> -> memref<1x128x128xf32, #tpu.memory_space<vmem>>
        %dma_start3A_156 = tpu.memref_squeeze %dma_start3A_155 : memref<1x128x128xf32, #tpu.memory_space<vmem>> -> memref<128x128xf32, #tpu.memory_space<vmem>>
        %dma_start3A_157 = arith.constant 0 : i32
        %dma_start3A_158 = tpu.memref_slice %arg6[%dma_start3A_151, %dma_start3A_157] : memref<2x128xi32, #tpu.memory_space<vmem>> -> memref<1x128xi32, #tpu.memory_space<vmem>>
        %dma_start3A_159 = tpu.memref_squeeze %dma_start3A_158 : memref<1x128xi32, #tpu.memory_space<vmem>> -> memref<128xi32, #tpu.memory_space<vmem>>
        %dma_start3A_160 = arith.constant 0 : i32
        %dma_start3A_161 = arith.constant 0 : i32
        %dma_start3A_162 = tpu.memref_slice %arg2[%dma_start3A_160, %dma_start3A_161] : memref<10000x128xf32, #tpu.memory_space<hbm>> -> memref<10000x128xf32, #tpu.memory_space<hbm>>
        tpu.enqueue_indirect_dma source(%dma_start3A_162 : memref<10000x128xf32, #tpu.memory_space<hbm>>) target(%dma_start3A_156 : memref<128x128xf32, #tpu.memory_space<vmem>>) offsets(%dma_start3A_159 : memref<128xi32, #tpu.memory_space<vmem>>) semaphore(%arg12 : memref<!tpu.dma_semaphore, #tpu.memory_space<semaphore_mem>>)
      } else {
      }
      %ge3A_97 = arith.constant 1 : i32
      %ge3A_98 = arith.cmpi sge, %add3A_92, %ge3A_97 : i32
      %sub3A_99 = arith.constant 1 : i32
      %sub3A_100 = arith.subi %add3A_92, %sub3A_99 : i32
      %lt3A_101 = arith.cmpi slt, %sub3A_100, %select_n3A : i32
      %and3A_102 = arith.andi %ge3A_98, %lt3A_101 : i1
      %convert_element_type3A_103 = arith.extui %and3A_102 : i1 to i32
      %cond3A_104 = arith.constant 0 : i32
      %cond3A_105 = arith.cmpi ne, %convert_element_type3A_103, %cond3A_104 : i32
      scf.if %cond3A_105 {
        %dma_wait3A_106 = arith.constant 0 : i32
        %dma_wait3A_107 = arith.constant 0 : i32
        %dma_wait3A_108 = arith.constant 0 : i32
        %dma_wait3A_109 = arith.constant 0 : i32
        %dma_wait3A_110 = tpu.memref_slice %arg8[%dma_wait3A_107, %dma_wait3A_108, %dma_wait3A_109] : memref<2x128x128xf32, #tpu.memory_space<vmem>> -> memref<1x128x128xf32, #tpu.memory_space<vmem>>
        %dma_wait3A_111 = tpu.memref_squeeze %dma_wait3A_110 : memref<1x128x128xf32, #tpu.memory_space<vmem>> -> memref<128x128xf32, #tpu.memory_space<vmem>>
        %dma_wait3A_112 = arith.constant 0 : i32
        %dma_wait3A_113 = tpu.memref_slice %arg6[%dma_wait3A_106, %dma_wait3A_112] : memref<2x128xi32, #tpu.memory_space<vmem>> -> memref<1x128xi32, #tpu.memory_space<vmem>>
        %dma_wait3A_114 = tpu.memref_squeeze %dma_wait3A_113 : memref<1x128xi32, #tpu.memory_space<vmem>> -> memref<128xi32, #tpu.memory_space<vmem>>
        %dma_wait3A_115 = arith.constant 0 : i32
        %dma_wait3A_116 = arith.constant 0 : i32
        %dma_wait3A_117 = tpu.memref_slice %arg2[%dma_wait3A_115, %dma_wait3A_116] : memref<10000x128xf32, #tpu.memory_space<hbm>> -> memref<10000x128xf32, #tpu.memory_space<hbm>>
        tpu.wait_indirect_dma semaphore(%arg11 : memref<!tpu.dma_semaphore, #tpu.memory_space<semaphore_mem>>) src(%dma_wait3A_117 : memref<10000x128xf32, #tpu.memory_space<hbm>>) dst(%dma_wait3A_111 : memref<128x128xf32, #tpu.memory_space<vmem>>)
        %dma_start3A = arith.constant 0 : i32
        %dma_start3A_118 = arith.constant 0 : i32
        %dma_start3A_119 = arith.constant 0 : i32
        %dma_start3A_120 = arith.constant 0 : i32
        %dma_start3A_121 = tpu.memref_slice %arg8[%dma_start3A, %dma_start3A_119, %dma_start3A_120] : memref<2x128x128xf32, #tpu.memory_space<vmem>> -> memref<1x128x128xf32, #tpu.memory_space<vmem>>
        %dma_start3A_122 = tpu.memref_squeeze %dma_start3A_121 : memref<1x128x128xf32, #tpu.memory_space<vmem>> -> memref<128x128xf32, #tpu.memory_space<vmem>>
        %dma_start3A_123 = arith.constant 0 : i32
        %dma_start3A_124 = tpu.memref_slice %arg7[%dma_start3A_118, %dma_start3A_123] : memref<2x128xi32, #tpu.memory_space<vmem>> -> memref<1x128xi32, #tpu.memory_space<vmem>>
        %dma_start3A_125 = tpu.memref_squeeze %dma_start3A_124 : memref<1x128xi32, #tpu.memory_space<vmem>> -> memref<128xi32, #tpu.memory_space<vmem>>
        %dma_start3A_126 = arith.constant 0 : i32
        %dma_start3A_127 = arith.constant 0 : i32
        %dma_start3A_128 = tpu.memref_slice %arg9[%dma_start3A_126, %dma_start3A_127] : memref<10240x128xf32, #tpu.memory_space<vmem_shared>> -> memref<10240x128xf32, #tpu.memory_space<vmem_shared>>
        tpu.enqueue_indirect_dma source(%dma_start3A_122 : memref<128x128xf32, #tpu.memory_space<vmem>>) target(%dma_start3A_128 : memref<10240x128xf32, #tpu.memory_space<vmem_shared>>) offsets(%dma_start3A_125 : memref<128xi32, #tpu.memory_space<vmem>>) semaphore(%arg13 : memref<!tpu.dma_semaphore, #tpu.memory_space<semaphore_mem>>) {add = true}
      } else {
      }
    }
    %scan3A_31 = arith.constant 40 : i32
    %dma_wait3A = arith.constant 0 : i32
    %dma_wait3A_32 = arith.constant 0 : i32
    %dma_wait3A_33 = arith.constant 0 : i32
    %dma_wait3A_34 = arith.constant 0 : i32
    %dma_wait3A_35 = tpu.memref_slice %arg8[%dma_wait3A, %dma_wait3A_33, %dma_wait3A_34] : memref<2x128x128xf32, #tpu.memory_space<vmem>> -> memref<1x128x128xf32, #tpu.memory_space<vmem>>
    %dma_wait3A_36 = tpu.memref_squeeze %dma_wait3A_35 : memref<1x128x128xf32, #tpu.memory_space<vmem>> -> memref<128x128xf32, #tpu.memory_space<vmem>>
    %dma_wait3A_37 = arith.constant 0 : i32
    %dma_wait3A_38 = tpu.memref_slice %arg7[%dma_wait3A_32, %dma_wait3A_37] : memref<2x128xi32, #tpu.memory_space<vmem>> -> memref<1x128xi32, #tpu.memory_space<vmem>>
    %dma_wait3A_39 = tpu.memref_squeeze %dma_wait3A_38 : memref<1x128xi32, #tpu.memory_space<vmem>> -> memref<128xi32, #tpu.memory_space<vmem>>
    %dma_wait3A_40 = arith.constant 0 : i32
    %dma_wait3A_41 = arith.constant 0 : i32
    %dma_wait3A_42 = tpu.memref_slice %arg9[%dma_wait3A_40, %dma_wait3A_41] : memref<10240x128xf32, #tpu.memory_space<vmem_shared>> -> memref<10240x128xf32, #tpu.memory_space<vmem_shared>>
    tpu.wait_indirect_dma semaphore(%arg13 : memref<!tpu.dma_semaphore, #tpu.memory_space<semaphore_mem>>) src(%dma_wait3A_36 : memref<128x128xf32, #tpu.memory_space<vmem>>) dst(%dma_wait3A_42 : memref<10240x128xf32, #tpu.memory_space<vmem_shared>>)
    %dma_wait3A_43 = arith.constant 1 : i32
    %dma_wait3A_44 = arith.constant 1 : i32
    %dma_wait3A_45 = arith.constant 0 : i32
    %dma_wait3A_46 = arith.constant 0 : i32
    %dma_wait3A_47 = tpu.memref_slice %arg8[%dma_wait3A_43, %dma_wait3A_45, %dma_wait3A_46] : memref<2x128x128xf32, #tpu.memory_space<vmem>> -> memref<1x128x128xf32, #tpu.memory_space<vmem>>
    %dma_wait3A_48 = tpu.memref_squeeze %dma_wait3A_47 : memref<1x128x128xf32, #tpu.memory_space<vmem>> -> memref<128x128xf32, #tpu.memory_space<vmem>>
    %dma_wait3A_49 = arith.constant 0 : i32
    %dma_wait3A_50 = tpu.memref_slice %arg7[%dma_wait3A_44, %dma_wait3A_49] : memref<2x128xi32, #tpu.memory_space<vmem>> -> memref<1x128xi32, #tpu.memory_space<vmem>>
    %dma_wait3A_51 = tpu.memref_squeeze %dma_wait3A_50 : memref<1x128xi32, #tpu.memory_space<vmem>> -> memref<128xi32, #tpu.memory_space<vmem>>
    %dma_wait3A_52 = arith.constant 0 : i32
    %dma_wait3A_53 = arith.constant 0 : i32
    %dma_wait3A_54 = tpu.memref_slice %arg9[%dma_wait3A_52, %dma_wait3A_53] : memref<10240x128xf32, #tpu.memory_space<vmem_shared>> -> memref<10240x128xf32, #tpu.memory_space<vmem_shared>>
    tpu.wait_indirect_dma semaphore(%arg14 : memref<!tpu.dma_semaphore, #tpu.memory_space<semaphore_mem>>) src(%dma_wait3A_48 : memref<128x128xf32, #tpu.memory_space<vmem>>) dst(%dma_wait3A_54 : memref<10240x128xf32, #tpu.memory_space<vmem_shared>>)
    %barrier3A_55 = arith.constant 0 : index
    tpu.barrier barrier_id(%barrier3A_55)
    %add3A_56 = arith.constant 0 : i32
    %add3A_57 = arith.addi %mul3A_9, %add3A_56 : i32
    %add3A_58 = arith.constant 0 : i32
    %add3A_59 = arith.addi %mul3A_9, %add3A_58 : i32
    "tpu.region"() ({
      %run_scoped3A_76 = tpu.sem_alloc : memref<!tpu.dma_semaphore, #tpu.memory_space<semaphore_mem>>
      %dma_start3A = arith.constant 0 : i32
      %dma_start3A_77 = tpu.memref_slice %arg5[%arg0, %add3A_59, %dma_start3A] : memref<2x10240x128xf32, #tpu.memory_space<hbm>> -> memref<1x128x128xf32, #tpu.memory_space<hbm>>
      %dma_start3A_78 = tpu.memref_squeeze %dma_start3A_77 : memref<1x128x128xf32, #tpu.memory_space<hbm>> -> memref<128x128xf32, #tpu.memory_space<hbm>>
      %dma_start3A_79 = arith.constant 0 : i32
      %dma_start3A_80 = tpu.memref_slice %arg9[%add3A_57, %dma_start3A_79] : memref<10240x128xf32, #tpu.memory_space<vmem_shared>> -> memref<128x128xf32, #tpu.memory_space<vmem_shared>>
      tpu.enqueue_dma source(%dma_start3A_80 : memref<128x128xf32, #tpu.memory_space<vmem_shared>>) target(%dma_start3A_78 : memref<128x128xf32, #tpu.memory_space<hbm>>) target_semaphore(%run_scoped3A_76 : memref<!tpu.dma_semaphore, #tpu.memory_space<semaphore_mem>>)
      %dma_wait3A_81 = arith.constant 0 : i32
      %dma_wait3A_82 = tpu.memref_slice %arg5[%arg0, %add3A_59, %dma_wait3A_81] : memref<2x10240x128xf32, #tpu.memory_space<hbm>> -> memref<1x128x128xf32, #tpu.memory_space<hbm>>
      %dma_wait3A_83 = tpu.memref_squeeze %dma_wait3A_82 : memref<1x128x128xf32, #tpu.memory_space<hbm>> -> memref<128x128xf32, #tpu.memory_space<hbm>>
      %dma_wait3A_84 = arith.constant 0 : i32
      %dma_wait3A_85 = tpu.memref_slice %arg9[%add3A_57, %dma_wait3A_84] : memref<10240x128xf32, #tpu.memory_space<vmem_shared>> -> memref<128x128xf32, #tpu.memory_space<vmem_shared>>
      tpu.wait_dma2 semaphore(%run_scoped3A_76 : memref<!tpu.dma_semaphore, #tpu.memory_space<semaphore_mem>>) src(%dma_wait3A_85 : memref<128x128xf32, #tpu.memory_space<vmem_shared>>) dst(%dma_wait3A_83 : memref<128x128xf32, #tpu.memory_space<hbm>>)
      tpu.yield
    }) : () -> ()
    %add3A_60 = arith.constant 128 : i32
    %add3A_61 = arith.addi %mul3A_9, %add3A_60 : i32
    %add3A_62 = arith.constant 128 : i32
    %add3A_63 = arith.addi %mul3A_9, %add3A_62 : i32
    "tpu.region"() ({
      %run_scoped3A_76 = tpu.sem_alloc : memref<!tpu.dma_semaphore, #tpu.memory_space<semaphore_mem>>
      %dma_start3A = arith.constant 0 : i32
      %dma_start3A_77 = tpu.memref_slice %arg5[%arg0, %add3A_63, %dma_start3A] : memref<2x10240x128xf32, #tpu.memory_space<hbm>> -> memref<1x128x128xf32, #tpu.memory_space<hbm>>
      %dma_start3A_78 = tpu.memref_squeeze %dma_start3A_77 : memref<1x128x128xf32, #tpu.memory_space<hbm>> -> memref<128x128xf32, #tpu.memory_space<hbm>>
      %dma_start3A_79 = arith.constant 0 : i32
      %dma_start3A_80 = tpu.memref_slice %arg9[%add3A_61, %dma_start3A_79] : memref<10240x128xf32, #tpu.memory_space<vmem_shared>> -> memref<128x128xf32, #tpu.memory_space<vmem_shared>>
      tpu.enqueue_dma source(%dma_start3A_80 : memref<128x128xf32, #tpu.memory_space<vmem_shared>>) target(%dma_start3A_78 : memref<128x128xf32, #tpu.memory_space<hbm>>) target_semaphore(%run_scoped3A_76 : memref<!tpu.dma_semaphore, #tpu.memory_space<semaphore_mem>>)
      %dma_wait3A_81 = arith.constant 0 : i32
      %dma_wait3A_82 = tpu.memref_slice %arg5[%arg0, %add3A_63, %dma_wait3A_81] : memref<2x10240x128xf32, #tpu.memory_space<hbm>> -> memref<1x128x128xf32, #tpu.memory_space<hbm>>
      %dma_wait3A_83 = tpu.memref_squeeze %dma_wait3A_82 : memref<1x128x128xf32, #tpu.memory_space<hbm>> -> memref<128x128xf32, #tpu.memory_space<hbm>>
      %dma_wait3A_84 = arith.constant 0 : i32
      %dma_wait3A_85 = tpu.memref_slice %arg9[%add3A_61, %dma_wait3A_84] : memref<10240x128xf32, #tpu.memory_space<vmem_shared>> -> memref<128x128xf32, #tpu.memory_space<vmem_shared>>
      tpu.wait_dma2 semaphore(%run_scoped3A_76 : memref<!tpu.dma_semaphore, #tpu.memory_space<semaphore_mem>>) src(%dma_wait3A_85 : memref<128x128xf32, #tpu.memory_space<vmem_shared>>) dst(%dma_wait3A_83 : memref<128x128xf32, #tpu.memory_space<hbm>>)
      tpu.yield
    }) : () -> ()
    %add3A_64 = arith.constant 256 : i32
    %add3A_65 = arith.addi %mul3A_9, %add3A_64 : i32
    %add3A_66 = arith.constant 256 : i32
    %add3A_67 = arith.addi %mul3A_9, %add3A_66 : i32
    "tpu.region"() ({
      %run_scoped3A_76 = tpu.sem_alloc : memref<!tpu.dma_semaphore, #tpu.memory_space<semaphore_mem>>
      %dma_start3A = arith.constant 0 : i32
      %dma_start3A_77 = tpu.memref_slice %arg5[%arg0, %add3A_67, %dma_start3A] : memref<2x10240x128xf32, #tpu.memory_space<hbm>> -> memref<1x128x128xf32, #tpu.memory_space<hbm>>
      %dma_start3A_78 = tpu.memref_squeeze %dma_start3A_77 : memref<1x128x128xf32, #tpu.memory_space<hbm>> -> memref<128x128xf32, #tpu.memory_space<hbm>>
      %dma_start3A_79 = arith.constant 0 : i32
      %dma_start3A_80 = tpu.memref_slice %arg9[%add3A_65, %dma_start3A_79] : memref<10240x128xf32, #tpu.memory_space<vmem_shared>> -> memref<128x128xf32, #tpu.memory_space<vmem_shared>>
      tpu.enqueue_dma source(%dma_start3A_80 : memref<128x128xf32, #tpu.memory_space<vmem_shared>>) target(%dma_start3A_78 : memref<128x128xf32, #tpu.memory_space<hbm>>) target_semaphore(%run_scoped3A_76 : memref<!tpu.dma_semaphore, #tpu.memory_space<semaphore_mem>>)
      %dma_wait3A_81 = arith.constant 0 : i32
      %dma_wait3A_82 = tpu.memref_slice %arg5[%arg0, %add3A_67, %dma_wait3A_81] : memref<2x10240x128xf32, #tpu.memory_space<hbm>> -> memref<1x128x128xf32, #tpu.memory_space<hbm>>
      %dma_wait3A_83 = tpu.memref_squeeze %dma_wait3A_82 : memref<1x128x128xf32, #tpu.memory_space<hbm>> -> memref<128x128xf32, #tpu.memory_space<hbm>>
      %dma_wait3A_84 = arith.constant 0 : i32
      %dma_wait3A_85 = tpu.memref_slice %arg9[%add3A_65, %dma_wait3A_84] : memref<10240x128xf32, #tpu.memory_space<vmem_shared>> -> memref<128x128xf32, #tpu.memory_space<vmem_shared>>
      tpu.wait_dma2 semaphore(%run_scoped3A_76 : memref<!tpu.dma_semaphore, #tpu.memory_space<semaphore_mem>>) src(%dma_wait3A_85 : memref<128x128xf32, #tpu.memory_space<vmem_shared>>) dst(%dma_wait3A_83 : memref<128x128xf32, #tpu.memory_space<hbm>>)
      tpu.yield
    }) : () -> ()
    %add3A_68 = arith.constant 384 : i32
    %add3A_69 = arith.addi %mul3A_9, %add3A_68 : i32
    %add3A_70 = arith.constant 384 : i32
    %add3A_71 = arith.addi %mul3A_9, %add3A_70 : i32
    "tpu.region"() ({
      %run_scoped3A_76 = tpu.sem_alloc : memref<!tpu.dma_semaphore, #tpu.memory_space<semaphore_mem>>
      %dma_start3A = arith.constant 0 : i32
      %dma_start3A_77 = tpu.memref_slice %arg5[%arg0, %add3A_71, %dma_start3A] : memref<2x10240x128xf32, #tpu.memory_space<hbm>> -> memref<1x128x128xf32, #tpu.memory_space<hbm>>
      %dma_start3A_78 = tpu.memref_squeeze %dma_start3A_77 : memref<1x128x128xf32, #tpu.memory_space<hbm>> -> memref<128x128xf32, #tpu.memory_space<hbm>>
      %dma_start3A_79 = arith.constant 0 : i32
      %dma_start3A_80 = tpu.memref_slice %arg9[%add3A_69, %dma_start3A_79] : memref<10240x128xf32, #tpu.memory_space<vmem_shared>> -> memref<128x128xf32, #tpu.memory_space<vmem_shared>>
      tpu.enqueue_dma source(%dma_start3A_80 : memref<128x128xf32, #tpu.memory_space<vmem_shared>>) target(%dma_start3A_78 : memref<128x128xf32, #tpu.memory_space<hbm>>) target_semaphore(%run_scoped3A_76 : memref<!tpu.dma_semaphore, #tpu.memory_space<semaphore_mem>>)
      %dma_wait3A_81 = arith.constant 0 : i32
      %dma_wait3A_82 = tpu.memref_slice %arg5[%arg0, %add3A_71, %dma_wait3A_81] : memref<2x10240x128xf32, #tpu.memory_space<hbm>> -> memref<1x128x128xf32, #tpu.memory_space<hbm>>
      %dma_wait3A_83 = tpu.memref_squeeze %dma_wait3A_82 : memref<1x128x128xf32, #tpu.memory_space<hbm>> -> memref<128x128xf32, #tpu.memory_space<hbm>>
      %dma_wait3A_84 = arith.constant 0 : i32
      %dma_wait3A_85 = tpu.memref_slice %arg9[%add3A_69, %dma_wait3A_84] : memref<10240x128xf32, #tpu.memory_space<vmem_shared>> -> memref<128x128xf32, #tpu.memory_space<vmem_shared>>
      tpu.wait_dma2 semaphore(%run_scoped3A_76 : memref<!tpu.dma_semaphore, #tpu.memory_space<semaphore_mem>>) src(%dma_wait3A_85 : memref<128x128xf32, #tpu.memory_space<vmem_shared>>) dst(%dma_wait3A_83 : memref<128x128xf32, #tpu.memory_space<hbm>>)
      tpu.yield
    }) : () -> ()
    %add3A_72 = arith.constant 512 : i32
    %add3A_73 = arith.addi %mul3A_9, %add3A_72 : i32
    %add3A_74 = arith.constant 512 : i32
    %add3A_75 = arith.addi %mul3A_9, %add3A_74 : i32
    "tpu.region"() ({
      %run_scoped3A_76 = tpu.sem_alloc : memref<!tpu.dma_semaphore, #tpu.memory_space<semaphore_mem>>
      %dma_start3A = arith.constant 0 : i32
      %dma_start3A_77 = tpu.memref_slice %arg5[%arg0, %add3A_75, %dma_start3A] : memref<2x10240x128xf32, #tpu.memory_space<hbm>> -> memref<1x128x128xf32, #tpu.memory_space<hbm>>
      %dma_start3A_78 = tpu.memref_squeeze %dma_start3A_77 : memref<1x128x128xf32, #tpu.memory_space<hbm>> -> memref<128x128xf32, #tpu.memory_space<hbm>>
      %dma_start3A_79 = arith.constant 0 : i32
      %dma_start3A_80 = tpu.memref_slice %arg9[%add3A_73, %dma_start3A_79] : memref<10240x128xf32, #tpu.memory_space<vmem_shared>> -> memref<128x128xf32, #tpu.memory_space<vmem_shared>>
      tpu.enqueue_dma source(%dma_start3A_80 : memref<128x128xf32, #tpu.memory_space<vmem_shared>>) target(%dma_start3A_78 : memref<128x128xf32, #tpu.memory_space<hbm>>) target_semaphore(%run_scoped3A_76 : memref<!tpu.dma_semaphore, #tpu.memory_space<semaphore_mem>>)
      %dma_wait3A_81 = arith.constant 0 : i32
      %dma_wait3A_82 = tpu.memref_slice %arg5[%arg0, %add3A_75, %dma_wait3A_81] : memref<2x10240x128xf32, #tpu.memory_space<hbm>> -> memref<1x128x128xf32, #tpu.memory_space<hbm>>
      %dma_wait3A_83 = tpu.memref_squeeze %dma_wait3A_82 : memref<1x128x128xf32, #tpu.memory_space<hbm>> -> memref<128x128xf32, #tpu.memory_space<hbm>>
      %dma_wait3A_84 = arith.constant 0 : i32
      %dma_wait3A_85 = tpu.memref_slice %arg9[%add3A_73, %dma_wait3A_84] : memref<10240x128xf32, #tpu.memory_space<vmem_shared>> -> memref<128x128xf32, #tpu.memory_space<vmem_shared>>
      tpu.wait_dma2 semaphore(%run_scoped3A_76 : memref<!tpu.dma_semaphore, #tpu.memory_space<semaphore_mem>>) src(%dma_wait3A_85 : memref<128x128xf32, #tpu.memory_space<vmem_shared>>) dst(%dma_wait3A_83 : memref<128x128xf32, #tpu.memory_space<hbm>>)
      tpu.yield
    }) : () -> ()
    return
  }
}

module attributes {stable_mosaic.version = 14 : i64} {
  func.func @_edge_mm_body(%arg0: i32, %arg1: memref<16000x64xf32, #tpu.memory_space<vmem>>, %arg2: memref<64x128xf32, #tpu.memory_space<vmem>>, %arg3: memref<1x128xf32, #tpu.memory_space<vmem>>, %arg4: memref<16000x128xf32, #tpu.memory_space<vmem>>) attributes {dimension_semantics = [#tpu.dimension_semantics<arbitrary>], iteration_bounds = array<i64: 20>, scalar_prefetch = 0 : i64, scratch_operands = 0 : i64, tpu.core_type = #tpu.core_type<tc>, window_params = [{transform_indices = @transform_0, window_bounds = array<i64: 16000, 64>}, {pipeline_mode = #tpu.pipeline_mode<synchronous>, transform_indices = @transform_1, window_bounds = array<i64: 64, 128>}, {pipeline_mode = #tpu.pipeline_mode<synchronous>, transform_indices = @transform_2, window_bounds = array<i64: 1, 128>}, {transform_indices = @transform_3, window_bounds = array<i64: 16000, 128>}]} {
    %get3A = arith.constant 0 : index
    %get3A_0 = arith.constant 0 : index
    %get3A_1 = vector.load %arg1[%get3A, %get3A_0] : memref<16000x64xf32, #tpu.memory_space<vmem>>, vector<16000x64xf32>
    %get3A_2 = arith.constant 0 : index
    %get3A_3 = arith.constant 0 : index
    %get3A_4 = vector.load %arg2[%get3A_2, %get3A_3] : memref<64x128xf32, #tpu.memory_space<vmem>>, vector<64x128xf32>
    %dot_general3A = arith.constant dense<0.000000e+00> : vector<16000x128xf32>
    %dot_general3A_5 = tpu.matmul %get3A_1, %get3A_4, %dot_general3A {dimension_numbers = #tpu.dot_dimension_numbers<[1], [0], [0], [1], [0, 0, 1, 1], [], []>, transpose_lhs_hint = false} : vector<16000x64xf32>, vector<64x128xf32>, vector<16000x128xf32> -> vector<16000x128xf32>
    %get3A_6 = arith.constant 0 : index
    %get3A_7 = arith.constant 0 : index
    %get3A_8 = vector.load %arg3[%get3A_6, %get3A_7] : memref<1x128xf32, #tpu.memory_space<vmem>>, vector<1x128xf32>
    %add3A = vector.broadcast %get3A_8 : vector<1x128xf32> to vector<16000x128xf32>
    %add3A_9 = arith.addf %dot_general3A_5, %add3A : vector<16000x128xf32>
    %swap3A = arith.constant 0 : index
    %swap3A_10 = arith.constant 0 : index
    %swap3A_11 = vector.load %arg4[%swap3A, %swap3A_10] : memref<16000x128xf32, #tpu.memory_space<vmem>>, vector<16000x128xf32>
    tpu.vector_store %arg4[%swap3A, %swap3A_10], %add3A_9 {strides = array<i32>} : memref<16000x128xf32, #tpu.memory_space<vmem>>, vector<16000x128xf32>,
    return
  }
  func.func @transform_0(%arg0: i32) -> (i32, i32) {
    %c0_i32 = arith.constant 0 : i32
    %c0_i32_0 = arith.constant 0 : i32
    return %arg0, %c0_i32 : i32, i32
  }
  func.func @transform_1(%arg0: i32) -> (i32, i32) {
    %c0_i32 = arith.constant 0 : i32
    %c0_i32_0 = arith.constant 0 : i32
    %c0_i32_1 = arith.constant 0 : i32
    return %c0_i32, %c0_i32_0 : i32, i32
  }
  func.func @transform_2(%arg0: i32) -> (i32, i32) {
    %c0_i32 = arith.constant 0 : i32
    %c0_i32_0 = arith.constant 0 : i32
    %c0_i32_1 = arith.constant 0 : i32
    return %c0_i32, %c0_i32_0 : i32, i32
  }
  func.func @transform_3(%arg0: i32) -> (i32, i32) {
    %c0_i32 = arith.constant 0 : i32
    %c0_i32_0 = arith.constant 0 : i32
    return %arg0, %c0_i32 : i32, i32
  }
}

module attributes {stable_mosaic.version = 14 : i64} {
  func.func @_final_body(%arg0: i32, %arg1: memref<2x2000x128xf32, #tpu.memory_space<vmem>>, %arg2: memref<2x2000x128xf32, #tpu.memory_space<vmem>>, %arg3: memref<128x128xf32, #tpu.memory_space<vmem>>, %arg4: memref<1x128xf32, #tpu.memory_space<vmem>>, %arg5: memref<2000x128xf32, #tpu.memory_space<vmem>>) attributes {dimension_semantics = [#tpu.dimension_semantics<arbitrary>], iteration_bounds = array<i64: 5>, scalar_prefetch = 0 : i64, scratch_operands = 0 : i64, tpu.core_type = #tpu.core_type<tc>, window_params = [{transform_indices = @transform_0, window_bounds = array<i64: 2, 2000, 128>}, {transform_indices = @transform_1, window_bounds = array<i64: 2, 2000, 128>}, {pipeline_mode = #tpu.pipeline_mode<synchronous>, transform_indices = @transform_2, window_bounds = array<i64: 128, 128>}, {pipeline_mode = #tpu.pipeline_mode<synchronous>, transform_indices = @transform_3, window_bounds = array<i64: 1, 128>}, {transform_indices = @transform_4, window_bounds = array<i64: 2000, 128>}]} {
    %get3A = arith.constant 0 : index
    %get3A_0 = arith.constant 0 : index
    %get3A_1 = arith.constant 0 : index
    %get3A_2 = vector.load %arg1[%get3A, %get3A_0, %get3A_1] : memref<2x2000x128xf32, #tpu.memory_space<vmem>>, vector<1x2000x128xf32>
    %get3A_3 = vector.shape_cast %get3A_2 : vector<1x2000x128xf32> to vector<2000x128xf32>
    %get3A_4 = arith.constant 1 : index
    %get3A_5 = arith.constant 0 : index
    %get3A_6 = arith.constant 0 : index
    %get3A_7 = vector.load %arg1[%get3A_4, %get3A_5, %get3A_6] : memref<2x2000x128xf32, #tpu.memory_space<vmem>>, vector<1x2000x128xf32>
    %get3A_8 = vector.shape_cast %get3A_7 : vector<1x2000x128xf32> to vector<2000x128xf32>
    %add3A = arith.addf %get3A_3, %get3A_8 : vector<2000x128xf32>
    %get3A_9 = arith.constant 0 : index
    %get3A_10 = arith.constant 0 : index
    %get3A_11 = arith.constant 0 : index
    %get3A_12 = vector.load %arg2[%get3A_9, %get3A_10, %get3A_11] : memref<2x2000x128xf32, #tpu.memory_space<vmem>>, vector<1x2000x128xf32>
    %get3A_13 = vector.shape_cast %get3A_12 : vector<1x2000x128xf32> to vector<2000x128xf32>
    %get3A_14 = arith.constant 1 : index
    %get3A_15 = arith.constant 0 : index
    %get3A_16 = arith.constant 0 : index
    %get3A_17 = vector.load %arg2[%get3A_14, %get3A_15, %get3A_16] : memref<2x2000x128xf32, #tpu.memory_space<vmem>>, vector<1x2000x128xf32>
    %get3A_18 = vector.shape_cast %get3A_17 : vector<1x2000x128xf32> to vector<2000x128xf32>
    %add3A_19 = arith.addf %get3A_13, %get3A_18 : vector<2000x128xf32>
    %add3A_20 = arith.addf %add3A, %add3A_19 : vector<2000x128xf32>
    %get3A_21 = arith.constant 0 : index
    %get3A_22 = arith.constant 0 : index
    %get3A_23 = vector.load %arg3[%get3A_21, %get3A_22] : memref<128x128xf32, #tpu.memory_space<vmem>>, vector<128x128xf32>
    %dot_general3A = arith.constant dense<0.000000e+00> : vector<2000x128xf32>
    %dot_general3A_24 = tpu.matmul %add3A_20, %get3A_23, %dot_general3A {dimension_numbers = #tpu.dot_dimension_numbers<[1], [0], [0], [1], [0, 0, 1, 1], [], []>, transpose_lhs_hint = false} : vector<2000x128xf32>, vector<128x128xf32>, vector<2000x128xf32> -> vector<2000x128xf32>
    %get3A_25 = arith.constant 0 : index
    %get3A_26 = arith.constant 0 : index
    %get3A_27 = vector.load %arg4[%get3A_25, %get3A_26] : memref<1x128xf32, #tpu.memory_space<vmem>>, vector<1x128xf32>
    %add3A_28 = vector.broadcast %get3A_27 : vector<1x128xf32> to vector<2000x128xf32>
    %add3A_29 = arith.addf %dot_general3A_24, %add3A_28 : vector<2000x128xf32>
    %logistic3A = arith.negf %add3A_29 : vector<2000x128xf32>
    %logistic3A_30 = math.exp %logistic3A : vector<2000x128xf32>
    %logistic3A_31 = arith.constant 1.000000e+00 : f32
    %logistic3A_32 = vector.broadcast %logistic3A_31 : f32 to vector<2000x128xf32>
    %logistic3A_33 = arith.addf %logistic3A_32, %logistic3A_30 : vector<2000x128xf32>
    %logistic3A_34 = arith.divf %logistic3A_32, %logistic3A_33 : vector<2000x128xf32>
    %mul3A = arith.mulf %add3A_29, %logistic3A_34 : vector<2000x128xf32>
    %swap3A = arith.constant 0 : index
    %swap3A_35 = arith.constant 0 : index
    %swap3A_36 = vector.load %arg5[%swap3A, %swap3A_35] : memref<2000x128xf32, #tpu.memory_space<vmem>>, vector<2000x128xf32>
    tpu.vector_store %arg5[%swap3A, %swap3A_35], %mul3A {strides = array<i32>} : memref<2000x128xf32, #tpu.memory_space<vmem>>, vector<2000x128xf32>,
    return
  }
  func.func @transform_0(%arg0: i32) -> (i32, i32, i32) {
    %c0_i32 = arith.constant 0 : i32
    %c0_i32_0 = arith.constant 0 : i32
    %c0_i32_1 = arith.constant 0 : i32
    return %c0_i32, %arg0, %c0_i32_0 : i32, i32, i32
  }
  func.func @transform_1(%arg0: i32) -> (i32, i32, i32) {
    %c0_i32 = arith.constant 0 : i32
    %c0_i32_0 = arith.constant 0 : i32
    %c0_i32_1 = arith.constant 0 : i32
    return %c0_i32, %arg0, %c0_i32_0 : i32, i32, i32
  }
  func.func @transform_2(%arg0: i32) -> (i32, i32) {
    %c0_i32 = arith.constant 0 : i32
    %c0_i32_0 = arith.constant 0 : i32
    %c0_i32_1 = arith.constant 0 : i32
    return %c0_i32, %c0_i32_0 : i32, i32
  }
  func.func @transform_3(%arg0: i32) -> (i32, i32) {
    %c0_i32 = arith.constant 0 : i32
    %c0_i32_0 = arith.constant 0 : i32
    %c0_i32_1 = arith.constant 0 : i32
    return %c0_i32, %c0_i32_0 : i32, i32
  }
  func.func @transform_4(%arg0: i32) -> (i32, i32) {
    %c0_i32 = arith.constant 0 : i32
    %c0_i32_0 = arith.constant 0 : i32
    return %arg0, %c0_i32 : i32, i32
  }
}

</mosaic_0001>

<sc_bundles>
// kernel: kernel.6.cloned.1.call-start
scs
__scs_entry_jumppad:
0x0: {  	(pc) =	sbr.rel $0x88, $3  }
0x1: {  	(tag) =	ssettag $0x0;
	lr =	simm.s32 $0x1  }
0x2: {  	[smem:$0x3F9A] =	sst lr;
	_ =	strace $0xD0000000  }
0x3: {  	_ = 	snop  }
0x4: {  	_ = 	snop  }
0x5: {  	_ = 	snop  }
0x6: {  	_ = 	snop  }
0x7: {  	_ = 	snop  }
__scs_overlays_trampoline_lowered:
0x8: {  	[smem:$0x3FA9] =	sst s0  }
0x9: {  	[smem:$0x3FAA] =	sst s1  }
0xa: {  	[smem:$0x3FAB] =	sst s2  }
0xb: {  	[smem:$0x3FAC] =	sst s3  }
0xc: {  	[smem:$0x3FAD] =	sst s4  }
0xd: {  	[smem:$0x3FAE] =	sst s5  }
0xe: {  	[smem:$0x3FAF] =	sst s6  }
0xf: {  	[smem:$0x3FB0] =	sst s7  }
0x10: {  	[smem:$0x3FB1] =	sst s8  }
0x11: {  	[smem:$0x3FB2] =	sst s9;
	s0 =	simm.s32 @!p0 $0x0  }
0x12: {  	s1 =	sld [smem:$0x3F98];
	s0 =	simm.s32 @p0 $0x1  }
0x13: {  	[smem:$0x3FB3] =	sst s0;
	s0 =	simm.s32 @!p1 $0x0  }
0x14: {  	s2 =	sld [smem:$0x3F97];
	s0 =	simm.s32 @p1 $0x1  }
0x15: {  	[smem:$0x3FB4] =	sst s0;
	s0 =	simm.s32 @!p2 $0x0  }
0x16: {  	s3 =	sld [smem:$0x3FDB];
	s0 =	simm.s32 @p2 $0x1  }
0x17: {  	s4 =	simm.s32 $0x1BF5;
	[smem:$0x3FB6] =	sst s0  }
0x18: {  	s0 =	sld [smem:$0x3F99];
	_ =	swait.ge [sflag:s4], $0x0  }
0x19: {  	s7 =	sld [smem:$0x3F9A]  }
0x1a: {  	s8 =	sadd.s32 $0xFFFFE003, lr  }
0x1b: {  	s9 =	sadd.s32 $0xFFFFFEF7, lr;
	s5 =	simm.s32 $0xFFFFFFFF;
	p2 =	slt.u32 s8, $0xFFFFF086  }
0x1c: {  	p1 =	slt.u32 s9, $0xF7A;
	s5 =	simm.s32 @!p2 $0x0  }
0x1d: {  	s5 =	simm.s32 @p1 $0x1;
	p0 =	seq.s32 s7, s2  }
0x1e: {  	s7 =	smul.u32 @!p0 $0xF7A, s2;
	p2 =	seq.s32 @!p0 s5, $0x0  }
0x1f: {  	s9 =	smul.u32 $0xF7A, s1;
	s8 =	simm.s32 @!p0 $0x1BF5;
	p2 =	por !p2, p0  }
0x20: {  	[sflag:s8] =	ssyncset.s32 @!p0 $0xFFFFF086;
	s6 =	sadd.s32 @!p0 s3, s7;
	s7 =	simm.s32 @!p0 $0x108  }
0x21: {  	s3 =	sadd.s32 s3, s9;
	s6 =	sadd.s32 @!p0 $0x88, s6;
	s7 =	simm.s32 @p2 $0x1082  }
0x22: {  	[simem:s7], [sflag:s8] =	dma.local @!p0 [hbm:s6], $0xF7A  }
0x23: {  	s9 =	sor.u32 $0xD0000000, s2;
	s6 =	simm.s32 $0x108;
	_ =	swait.ge @!p0 [sflag:s8], $0x0  }
0x24: {  	s3 =	sadd.s32 $0x88, s3;
	s6 =	simm.s32 @!p1 $0x1082;
	[sflag:s4] =	ssyncset.s32 $0xFFFFF086  }
0x25: {  	[simem:s6], [sflag:s4] =	dma.local [hbm:s3], $0xF7A  }
0x26: {  	[smem:$0x3F9A] =	sst s1;
	(tag) =	ssettag s2;
	_ =	strace s9  }
0x27: {  	s1 =	sld [smem:$0x3FAA]  }
0x28: {  	s2 =	sld [smem:$0x3FAB]  }
0x29: {  	s4 =	sld [smem:$0x3FAD]  }
0x2a: {  	p0 =	seq.s32 s5, $0x0;
	s5 =	sld [smem:$0x3FAE]  }
0x2b: {  	s6 =	sld [smem:$0x3FAF]  }
0x2c: {  	s7 =	sld [smem:$0x3FB0]  }
0x2d: {  	s3 =	simm.s32 $0x108;
	s8 =	sld [smem:$0x3FB1]  }
0x2e: {  	s3 =	simm.s32 @!p0 $0x1082;
	s9 =	sld [smem:$0x3FB2]  }
0x2f: {  	lr =	sadd.s32 s0, s3;
	s0 =	sld [smem:$0x3FA9]  }
0x30: {  	s3 =	sld [smem:$0x3FAC]  }
0x31: {  	[smem:$0x3FB5] =	sst s10  }
0x32: {  	s10 =	sld [smem:$0x3FB3];
	_ =	sdelay $0x3  }
0x33: {  	p0 =	seq.s32 s10, $0x1;
	s10 =	sld [smem:$0x3FB5];
	_ =	sdelay $0x3  }
0x34: {  	[smem:$0x3FB5] =	sst s10  }
0x35: {  	s10 =	sld [smem:$0x3FB4];
	_ =	sdelay $0x3  }
0x36: {  	p1 =	seq.s32 s10, $0x1;
	s10 =	sld [smem:$0x3FB5];
	_ =	sdelay $0x3  }
0x37: {  	[smem:$0x3FB5] =	sst s10  }
0x38: {  	s10 =	sld [smem:$0x3FB6]  }
0x39: {  	_ = 	snop;
	(pc) =	sbr.ind lr, $3  }
0x3a: {  	_ = 	snop  }
0x3b: {  	_ = 	snop  }
0x3c: {  	p2 =	seq.s32 s10, $0x1;
	s10 =	sld [smem:$0x3FB5]  }
0x3d: {  	_ =	shalt  }
0x3e: {  	_ =	shalt  }
0x3f: {  	_ =	shalt  }
0x40: {  	_ =	shalt  }
0x41: {  	_ =	shalt  }
0x42: {  	_ =	shalt  }
0x43: {  	_ =	shalt  }
0x44: {  	_ =	shalt  }
0x45: {  	_ =	shalt  }
0x46: {  	_ =	shalt  }
0x47: {  	_ =	shalt  }
0x48: {  	_ =	shalt  }
0x49: {  	_ =	shalt  }
0x4a: {  	_ =	shalt  }
0x4b: {  	_ =	shalt  }
0x4c: {  	_ =	shalt  }
0x4d: {  	_ =	shalt  }
0x4e: {  	_ =	shalt  }
0x4f: {  	_ =	shalt  }
0x50: {  	_ =	shalt  }
0x51: {  	_ =	shalt  }
0x52: {  	_ =	shalt  }
0x53: {  	_ =	shalt  }
0x54: {  	_ =	shalt  }
0x55: {  	_ =	shalt  }
0x56: {  	_ =	shalt  }
0x57: {  	_ =	shalt  }
0x58: {  	_ =	shalt  }
0x59: {  	_ =	shalt  }
0x5a: {  	_ =	shalt  }
0x5b: {  	_ =	shalt  }
0x5c: {  	_ =	shalt  }
0x5d: {  	_ =	shalt  }
0x5e: {  	_ =	shalt  }
0x5f: {  	_ =	shalt  }
0x60: {  	_ =	shalt  }
0x61: {  	_ =	shalt  }
0x62: {  	_ =	shalt  }
0x63: {  	_ =	shalt  }
0x64: {  	_ =	shalt  }
0x65: {  	_ =	shalt  }
0x66: {  	_ =	shalt  }
0x67: {  	_ =	shalt  }
0x68: {  	_ =	shalt  }
0x69: {  	_ =	shalt  }
0x6a: {  	_ =	shalt  }
0x6b: {  	_ =	shalt  }
0x6c: {  	_ =	shalt  }
0x6d: {  	_ =	shalt  }
0x6e: {  	_ =	shalt  }
0x6f: {  	_ =	shalt  }
0x70: {  	_ =	shalt  }
0x71: {  	_ =	shalt  }
0x72: {  	_ =	shalt  }
0x73: {  	_ =	shalt  }
0x74: {  	_ =	shalt  }
0x75: {  	_ =	shalt  }
0x76: {  	_ =	shalt  }
0x77: {  	_ =	shalt  }
0x78: {  	_ =	shalt  }
0x79: {  	_ =	shalt  }
0x7a: {  	_ =	shalt  }
0x7b: {  	_ =	shalt  }
0x7c: {  	_ =	shalt  }
0x7d: {  	_ =	shalt  }
0x7e: {  	_ =	shalt  }
0x7f: {  	_ =	shalt  }
0x80: {  	_ =	shalt  }
0x81: {  	_ =	shalt  }
0x82: {  	_ =	shalt  }
0x83: {  	_ =	shalt  }
0x84: {  	_ =	shalt  }
0x85: {  	_ =	shalt  }
0x86: {  	_ =	shalt  }
0x87: {  	_ =	shalt  }
.Lfunc_end0:
.L_simem_size_0:
called_computation_lowered:
.L_overlay_start_0:
0x88: {  	s2 =	sld [smem:$0x3FD9]  }
0x89: {  	s3 =	sld [smem:$0x3FFE];
	_ =	sdelay $0x1  }
0x8a: {  	s1 =	srdreg.scid  }
0x8b: {  	s0 =	sand.u32 $0x1, s1  }
0x8c: {  	s15 =	sshll.u32 s0, $0xA;
	s2 =	sadd.s32 s3, s2  }
0x8d: {  	s2 =	sadd.s32 s2, s15  }
0x8e: {  	[smem:$0x3FC1] =	sst s2  }
0x8f: {  	_ = 	snop  }
0x90: {  	s2 =	sld [smem:$0x3FD0];
	_ =	sdelay $0x2  }
0x91: {  	s4 =	simm.s32 $0xB;
	s5 =	simm.s32 $0x10;
	s16 =	sld [smem:$0x3FC9]  }
0x92: {  	[smem:s5], [sflag:s4] =	dma.local [hbm:s2], $0x1  }
0x93: {  	_ =	swait.eq [sflag:s4], $0x1  }
0x94: {  	[sflag:s4] =	ssyncset.done $0x0  }
0x95: {  	[sflag:s4] =	ssyncadd.s32 $0xFFFFFFFF  }
0x96: {  	s17 =	sld [smem:$0x10];
	(tm) =	ssettm $0x1  }
0x97: {  	s18 =	sld [smem:$0x3FFB];
	_ =	sdelay $0x3  }
0x98: {  	_ =	strace s18  }
0x99: {  	s2 =	sld [smem:$0x3FFC];
	_ =	sdelay $0x3  }
0x9a: {  	_ =	strace s2  }
0x9b: {  	s2 =	sld [smem:$0x3FFD];
	_ =	sdelay $0x3  }
0x9c: {  	_ =	strace s2  }
0x9d: {  	_ =	strace $0x8FFFFFFF  }
0x9e: {  	s19 =	sld [smem:$0x3FDB];
	_ =	sdelay $0x1  }
0x9f: {  	s20 =	simm.s32 $_scs_section_size  }
0xa0: {  	s6 =	simm.s32 $_size__tile_overlayer_lowered;
	s7 =	simm.s32 $_tile_overlayer_lowered  }
0xa1: {  	s8 =	simm.s32 $0x1BFF;
	s21 =	sshll.u32 s7, $0x1;
	s5 =	sadd.s32 s20, s19  }
0xa2: {  	s22 =	simm.s32 $0x0;
	s6 =	sshll.u32 s6, $0x1;
	s7 =	sadd.s32 s21, s5  }
0xa3: {  	[timem:s22], [sflag:s8] =	dma.local [hbm:s7], s6  }
0xa4: {  	_ =	swait.ge [sflag:s8], s6  }
0xa5: {  	s6 =	ssub.s32 $0x0, s6;
	[sflag:s8] =	ssyncset.done $0x0  }
0xa6: {  	[sflag:s8] =	ssyncadd.s32 s6;
	_ =	sdelay $0x1  }
0xa7: {  	s23 =	simm.s32 $0x1B8B  }
0xa8: {  	_ =	swait.ge [sflag:s23], $0x1  }
0xa9: {  	[sflag:s23] =	ssyncset.done $0x0  }
0xaa: {  	[sflag:s23] =	ssyncadd.s32 $0xFFFFFFFF  }
0xab: {  	s6 =	sld [smem:$0x0]  }
0xac: {  	s7 =	sand.u32 $0xFFFFFFFE, s1  }
0xad: {  	p0 =	sne.s32 s1, s7  }
0xae: {  	s7 =	sshll.u32 @p0 s7, $0xE  }
0xaf: {  	s7 =	sadd.s32 @p0 $0x11B8D, s7;
	s8 =	sshll.u32 @p0 s6, $0x11  }
0xb0: {  	s7 =	sor.u32 @p0 s8, s7  }
0xb1: {  	[sflag:s7] =	ssyncadd.remote.s32 @p0 $0x1;
	_ =	sdelay $0x1  }
0xb2: {  	s7 =	simm.s32 @p0 $0x1B8D  }
0xb3: {  	_ =	swait.eq @p0 [sflag:s7], $0x1  }
0xb4: {  	[sflag:s7] =	ssyncadd.s32 @p0 $0xFFFFFFFF  }
0xb5: {  	s8 =	sshll.u32 @!p0 s1, $0xE  }
0xb6: {  	s8 =	sor.u32 @!p0 $0x4000, s8;
	s7 =	simm.s32 @!p0 $0x1B8D  }
0xb7: {  	s6 =	sshll.u32 @!p0 s6, $0x11;
	s8 =	sadd.s32 @!p0 $0x11B8D, s8;
	_ =	swait.eq @!p0 [sflag:s7], $0x1  }
0xb8: {  	s6 =	sor.u32 @!p0 s6, s8;
	[sflag:s7] =	ssyncadd.s32 @!p0 $0xFFFFFFFF  }
0xb9: {  	s25 =	simm.s32 $0x1B8E;
	s24 =	sld [smem:$0x3FFE];
	[sflag:s6] =	ssyncadd.remote.s32 @!p0 $0x1  }
0xba: {  	s26 =	simm.s32 $execute0_lowered;
	[smem:$0x3FD2] =	sst s25  }
0xbb: {  	s7 =	sshll.u32 s26, $0x1;
	_ =	strace $0x80000049;
	[dreg:$0x1] =	wrdreg $0xFFFFFFFF  }
0xbc: {  	s28 =	simm.s32 $_size_execute0_lowered;
	s5 =	sadd.s32 s5, s7;
	[dreg:$0x0] =	wrdreg $0x0  }
0xbd: {  	s7 =	sshll.u32 s28, $0x1;
	[dreg:$0x2] =	wrdreg s5  }
0xbe: {  	[dreg:$0x3] =	wrdreg s7  }
0xbf: {  	[dreg:$0x4] =	wrdreg $0xC0  }
0xc0: {  	_ =	task [dreg:s22], $0x5FFFF  }
0xc1: {  	[dreg:$0x1] =	wrdreg $0xFFFFFFFF  }
0xc2: {  	[dreg:$0x0] =	wrdreg $0x60  }
0xc3: {  	[dreg:$0x2] =	wrdreg s16  }
0xc4: {  	[dreg:$0x3] =	wrdreg s24  }
0xc5: {  	[dreg:$0x4] =	wrdreg s17  }
0xc6: {  	[dreg:$0x5] =	wrdreg $0x82000  }
0xc7: {  	[dreg:$0x6] =	wrdreg $0x9  }
0xc8: {  	_ =	task.clear_ibuf [dreg:s22], $0x7FFFF;
	_ =	strace $0x90000049  }
0xc9: {  	s29 =	simm.s32 $0x9;
	_ =	strace $0x8000004B  }
0xca: {  	_ =	swait.ge [sflag:s29], $0x1  }
0xcb: {  	[sflag:s29] =	ssyncadd.s32 $0xFFFFFFFF  }
0xcc: {  	_ =	strace $0x9000004B  }
0xcd: {  	_ =	sfence  }
0xce: {  	s30 =	sld [smem:$0x0];
	_ =	sdelay $0x2  }
0xcf: {  	s31 =	sshll.u32 s1, $0xD;
	s1 =	sshrl.u32 s1, $0x2  }
0xd0: {  	s4 =	sand.u32 $0x4000, s31;
	s1 =	sadd.s32 s1, s30  }
0xd1: {  	s0 =	sor.u32 s4, s0;
	s1 =	sshll.u32 s1, $0x11  }
0xd2: {  	s0 =	sor.u32 s1, s0  }
0xd3: {  	s0 =	sadd.s32 $0x8F2B, s0  }
0xd4: {  	[sflag:s0] =	ssyncadd.remote.s32 $0x1  }
0xd5: {  	_ =	sfence.sel $0xFFFF  }
0xd6: {  	[dreg:$0x0] =	wrdreg $0xFFFFFFFF;
	(pc) =	sbr.abs _section_cstart, $3  }
0xd7: {  	[dreg:$0x1] =	wrdreg $0xFFFFFFFF  }
0xd8: {  	_ =	task.clear_ibuf [dreg:s22], $0x2FFFF;
	_ =	strace $0x9FFFFFFF  }
0xd9: {  	(tm) =	ssettm $0x7FFFFFFF  }
tec
execute0_lowered:
.L_overlay_start_1:
0x0: {  	(tag) =	ssettag $0x1  }
0x1: {  	s1 =	rddreg [dreg:$0x0]  }
0x2: {  	s0 =	rddreg [dreg:$0x1]  }
0x3: {  	s2 =	rddreg [dreg:$0x2]  }
0x4: {  	s3 =	rddreg [dreg:$0x3];
	s4 =	simm.s32 $0x0  }
0x5: {  	s26 =	stileid.u32;
	s5 =	srdreg.scid;
	s28 =	simm.s32 $0x1  }
0x6: {  	s29 =	simm.s32 $0x80;
	s30 =	simm.s32 $0x180;
	s31 =	simm.s32 $0x4200  }
0x7: {  	[smem:$0x7FF] =	sst s4;
	s6 =	smul.u32 $0x50000, s26;
	s10 =	sand.u32 $0x1, s5  }
0x8: {  	s11 =	smul.u32 $0x14000, s26;
	s12 =	sadd.s32 $0xC00, s0;
	s0 =	sadd.s32 $0x5AA00, s0  }
0x9: {  	s22 =	sshll.u32 s26, $0x5;
	p0 =	sgt.u32 s26, $0x1;
	s26 =	simm.s32 $0x100  }
0xa: {  	_ =	strace $0x8000004A;
	s5 =	ssub.s32 $0x2, s10;
	s17 =	smul.u32 $0x140000, s10  }
0xb: {  	s10 =	sshll.u32 s10, $0x4;
	s7 =	sshrl.u32 s5, $0x1;
	s6 =	sshrl.u32 s6, $0x2  }
0xc: {  	s13 =	sadd.s32 $0x4000, s11;
	s15 =	sadd.s32 $0x8000, s11;
	s16 =	sadd.s32 $0xC000, s11  }
0xd: {  	s18 =	sadd.s32 $0x10000, s11;
	s19 =	sor.u32 s10, s22;
	s14 =	ssub.s32 s5, s7  }
0xe: {  	s5 =	sadd.s32 s6, s3;
	s6 =	sadd.s32 s13, s3;
	s7 =	sadd.s32 s15, s3  }
0xf: {  	s8 =	sadd.s32 s16, s3;
	s9 =	sadd.s32 s18, s3;
	s11 =	sadd.s32 s11, s17  }
0x10: {  	s13 =	sadd.s32 s17, s13;
	s23 =	sadd.s32 s17, s15;
	s24 =	sadd.s32 s17, s16  }
0x11: {  	s25 =	sadd.s32 s17, s18;
	s18 =	sadd.s32 s2, s19;
	s20 =	sadd.s32 s12, s19  }
0x12: {  	s11 =	sshrl.u32 s11, $0x3;
	s21 =	sshrl.u32 s13, $0x3;
	s13 =	sshrl.u32 s24, $0x3  }
0x13: {  	s16 =	sshrl.u32 s25, $0x3;
	s17 =	smax.u32 s14, $0x1;
	[dreg:$0xb] =	wrdreg s18  }
0x14: {  	[dreg:$0xc] =	wrdreg s20;
	s24 =	sadd.s32 s22, s2;
	s25 =	sadd.s32 s22, s12  }
0x15: {  	s11 =	sadd.s32 s0, s11;
	s13 =	sadd.s32 s0, s13;
	[dreg:$0xa] =	wrdreg s17  }
0x16: {  	s22 =	sadd.s32 s10, s24;
	s24 =	simm.s32 $0x200;
	[dreg:$0x5] =	wrdreg s11  }
0x17: {  	s11 =	sadd.s32 s0, s21;
	[dreg:$0x8] =	wrdreg s13;
	s21 =	sor.u32 $0x200, s19  }
0x18: {  	[dreg:$0x6] =	wrdreg s11;
	s11 =	sshrl.u32 s23, $0x3;
	s23 =	sor.u32 $0x9C00, s19  }
0x19: {  	s18 =	sadd.s32 s2, s21;
	s19 =	sadd.s32 s12, s21;
	s11 =	sadd.s32 s0, s11  }
0x1a: {  	s0 =	sadd.s32 s0, s16;
	s20 =	sadd.s32 s2, s23;
	s21 =	sadd.s32 s12, s23  }
0x1b: {  	s23 =	sadd.s32 s10, s25;
	s25 =	simm.s32 $0x6;
	s2 =	simm.s32 $0x4  }
0x1c: {  	s10 =	simm.s32 $0x3;
	s12 =	simm.s32 $0x0;
	[dreg:$0x7] =	wrdreg s11  }
0x1d: {  	v0 =	vimm.f32 $0.0e+00;
	[dreg:$0x9] =	wrdreg s0;
	s0 =	simm.s32 $0x2;
	s11 =	simm.s32 $0x5  }
.LBB2_1:
0x1e: {  	s13 =	simm.s32 $0x0;
	s14 =	simm.s32 $0x200  }
.LBB2_2:
0x1f: {  	p1 =	sne.s32 s14, $0xFE00;
	[tilespmem:s13+$0x270] =	vst v0  }
0x20: {  	[tilespmem:s13+$0x200] =	vst v0  }
0x21: {  	[tilespmem:s13+$0x210] =	vst v0  }
.Ltmp0:
0x22: {  	[tilespmem:s13+$0x220] =	vst v0;
	(pc) =	sbr.rel @p1 .LBB2_2-.Ltmp0, $4  }
0x23: {  	[tilespmem:s13+$0x230] =	vst v0  }
0x24: {  	[tilespmem:s13+$0x240] =	vst v0  }
0x25: {  	[tilespmem:s13+$0x250] =	vst v0  }
0x26: {  	[tilespmem:s13+$0x260] =	vst v0;
	s13 =	sshra.s32 s14, $0x2;
	s14 =	sadd.s32 $0x200, s14  }
0x27: {  	[tilespmem:s13+$0x270] =	vst v0  }
0x28: {  	[tilespmem:s13+$0x200] =	vst v0  }
0x29: {  	[tilespmem:s13+$0x210] =	vst v0  }
0x2a: {  	[tilespmem:s13+$0x220] =	vst v0  }
0x2b: {  	[tilespmem:s13+$0x230] =	vst v0  }
0x2c: {  	[tilespmem:s13+$0x240] =	vst v0  }
0x2d: {  	[tilespmem:s13+$0x250] =	vst v0  }
0x2e: {  	[tilespmem:s13+$0x260] =	vst v0  }
0x2f: {  	[spmem:s5] =	stream.linear.scatter [tilespmem:s24], [sflag:$0x6], $0x4000, $0x38;
	[tilespmem:$0x1C200] =	vst v63  }
0x30: {  	_ =	swait.ge [sflag:s25], $0x4000  }
0x31: {  	[sflag:s25] =	ssyncset.done $0x0  }
0x32: {  	[sflag:s25] =	ssyncadd.s32 $0xFFFFC000  }
0x33: {  	[spmem:s6] =	stream.linear.scatter [tilespmem:s24], [sflag:$0x6], $0x4000, $0x38;
	[tilespmem:$0x1C200] =	vst v63  }
0x34: {  	_ =	swait.ge [sflag:s25], $0x4000  }
0x35: {  	[sflag:s25] =	ssyncset.done $0x0  }
0x36: {  	[sflag:s25] =	ssyncadd.s32 $0xFFFFC000  }
0x37: {  	[spmem:s7] =	stream.linear.scatter [tilespmem:s24], [sflag:$0x6], $0x4000, $0x38;
	[tilespmem:$0x1C200] =	vst v63  }
0x38: {  	_ =	swait.ge [sflag:s25], $0x4000  }
0x39: {  	[sflag:s25] =	ssyncset.done $0x0  }
0x3a: {  	[sflag:s25] =	ssyncadd.s32 $0xFFFFC000  }
0x3b: {  	[spmem:s8] =	stream.linear.scatter [tilespmem:s24], [sflag:$0x6], $0x4000, $0x38;
	[tilespmem:$0x1C200] =	vst v63  }
0x3c: {  	_ =	swait.ge [sflag:s25], $0x4000  }
0x3d: {  	[sflag:s25] =	ssyncset.done $0x0  }
0x3e: {  	[sflag:s25] =	ssyncadd.s32 $0xFFFFC000  }
0x3f: {  	[spmem:s9] =	stream.linear.scatter [tilespmem:s24], [sflag:$0x6], $0x4000, $0x38;
	[tilespmem:$0x1C200] =	vst v63  }
0x40: {  	_ =	swait.ge [sflag:s25], $0x4000  }
0x41: {  	[sflag:s25] =	ssyncset.done $0x0  }
0x42: {  	[sflag:s25] =	ssyncadd.s32 $0xFFFFC000  }
0x43: {  	[bflag:$0x0] =	sbarrier.arrive $0xFFFF  }
0x44: {  	s15 =	simm.s32 $0x0;
	s14 =	rddreg [dreg:$0xb]  }
0x45: {  	[tilespmem:s26], [sflag:$0x1] =	stream.linear.gather [hbm4b:s14+s15], $0x80, $0x38;
	[tilespmem:$0x1C200] =	vst v63  }
0x46: {  	s16 =	rddreg [dreg:$0xc]  }
0x47: {  	[tilespmem:s15], [sflag:$0x1] =	stream.linear.gather [hbm4b:s16+s15], $0x80, $0x38;
	[tilespmem:$0x1C200] =	vst v63  }
0x48: {  	_ =	swait.ge [sflag:s28], $0x80  }
0x49: {  	[sflag:s28] =	ssyncset.done $0x0  }
0x4a: {  	[sflag:s28] =	ssyncadd.s32 $0xFFFFFF80  }
0x4b: {  	_ =	swait.ge [sflag:s28], $0x80  }
0x4c: {  	[sflag:s28] =	ssyncset.done $0x0  }
0x4d: {  	[sflag:s28] =	ssyncadd.s32 $0xFFFFFF80  }
0x4e: {  	[tilespmem:s24], [sflag:$0x2] =	stream.indirect.gather [hbm4b:s1+s29], $0x80, s15, s29, $0xb8;
	[tilespmem:$0x1C200] =	vst v63  }
0x4f: {  	_ = 	snop  }
0x50: {  	[tilespmem:s30], [sflag:$0x1] =	stream.linear.gather [hbm4b:s18+s15], $0x80, $0x38;
	[tilespmem:$0x1C200] =	vst v63  }
0x51: {  	_ = 	snop  }
0x52: {  	[tilespmem:s29], [sflag:$0x1] =	stream.linear.gather [hbm4b:s19+s15], $0x80, $0x38;
	[tilespmem:$0x1C200] =	vst v63  }
0x53: {  	_ =	swait.ge [sflag:s28], $0x80  }
0x54: {  	[sflag:s28] =	ssyncset.done $0x0  }
0x55: {  	[sflag:s28] =	ssyncadd.s32 $0xFFFFFF80  }
0x56: {  	_ =	swait.ge [sflag:s28], $0x80  }
0x57: {  	[sflag:s28] =	ssyncset.done $0x0  }
0x58: {  	[sflag:s28] =	ssyncadd.s32 $0xFFFFFF80  }
0x59: {  	[tilespmem:s31], [sflag:$0x3] =	stream.indirect.gather [hbm4b:s1+s29], $0x80, s29, s29, $0xb8;
	[tilespmem:$0x1C200] =	vst v63  }
0x5a: {  	_ =	swait.ge [sflag:s0], $0x4000  }
0x5b: {  	[sflag:s0] =	ssyncset.done $0x0  }
0x5c: {  	[sflag:s0] =	ssyncadd.s32 $0xFFFFC000  }
0x5d: {  	[spmem:s3] =	stream.indirect.scatter.add.f32 [tilespmem:s24], [sflag:$0x4], $0x80, s26, s29, $0xb8;
	[tilespmem:$0x1C200] =	vst v63  }
0x5e: {  	_ =	swait.ge [sflag:s2], $0x4000  }
0x5f: {  	s13 =	sadd.s32 $0x0, s22;
	[sflag:s2] =	ssyncset.done $0x0  }
0x60: {  	s17 =	sadd.s32 $0x400, s13;
	s15 =	sadd.s32 $0x0, s23;
	[sflag:s2] =	ssyncadd.s32 $0xFFFFC000  }
0x61: {  	[tilespmem:s26], [sflag:$0x1] =	stream.linear.gather [hbm4b:s17+s4], $0x80, $0x38;
	[tilespmem:$0x1C200] =	vst v63  }
0x62: {  	s16 =	sadd.s32 $0x400, s15  }
0x63: {  	[tilespmem:s4], [sflag:$0x1] =	stream.linear.gather [hbm4b:s16+s4], $0x80, $0x38;
	[tilespmem:$0x1C200] =	vst v63  }
0x64: {  	_ =	swait.ge [sflag:s28], $0x80  }
0x65: {  	[sflag:s28] =	ssyncset.done $0x0  }
0x66: {  	[sflag:s28] =	ssyncadd.s32 $0xFFFFFF80  }
0x67: {  	_ =	swait.ge [sflag:s28], $0x80  }
0x68: {  	[sflag:s28] =	ssyncset.done $0x0  }
0x69: {  	[sflag:s28] =	ssyncadd.s32 $0xFFFFFF80  }
0x6a: {  	[tilespmem:s24], [sflag:$0x2] =	stream.indirect.gather [hbm4b:s1+s29], $0x80, s4, s29, $0xb8;
	[tilespmem:$0x1C200] =	vst v63  }
0x6b: {  	_ =	swait.ge [sflag:s10], $0x4000  }
0x6c: {  	[sflag:s10] =	ssyncset.done $0x0  }
0x6d: {  	[sflag:s10] =	ssyncadd.s32 $0xFFFFC000  }
0x6e: {  	[spmem:s3] =	stream.indirect.scatter.add.f32 [tilespmem:s31], [sflag:$0x5], $0x80, s30, s29, $0xb8;
	[tilespmem:$0x1C200] =	vst v63  }
0x6f: {  	_ =	swait.ge [sflag:s11], $0x4000  }
0x70: {  	[sflag:s11] =	ssyncset.done $0x0  }
0x71: {  	s13 =	sadd.s32 $0x600, s13;
	[sflag:s11] =	ssyncadd.s32 $0xFFFFC000  }
0x72: {  	[tilespmem:s30], [sflag:$0x1] =	stream.linear.gather [hbm4b:s13+s4], $0x80, $0x38;
	[tilespmem:$0x1C200] =	vst v63  }
0x73: {  	s17 =	sadd.s32 $0x600, s15  }
0x74: {  	[tilespmem:s29], [sflag:$0x1] =	stream.linear.gather [hbm4b:s17+s4], $0x80, $0x38;
	[tilespmem:$0x1C200] =	vst v63  }
0x75: {  	_ =	swait.ge [sflag:s28], $0x80  }
0x76: {  	[sflag:s28] =	ssyncset.done $0x0  }
0x77: {  	[sflag:s28] =	ssyncadd.s32 $0xFFFFFF80  }
0x78: {  	_ =	swait.ge [sflag:s28], $0x80  }
0x79: {  	[sflag:s28] =	ssyncset.done $0x0  }
0x7a: {  	[sflag:s28] =	ssyncadd.s32 $0xFFFFFF80  }
0x7b: {  	[tilespmem:s31], [sflag:$0x3] =	stream.indirect.gather [hbm4b:s1+s29], $0x80, s29, s29, $0xb8;
	[tilespmem:$0x1C200] =	vst v63  }
0x7c: {  	_ =	swait.ge [sflag:s0], $0x4000  }
0x7d: {  	[sflag:s0] =	ssyncset.done $0x0  }
0x7e: {  	s13 =	simm.s32 $0x400;
	[sflag:s0] =	ssyncadd.s32 $0xFFFFC000  }
.LBB2_4:
0x7f: {  	[spmem:s3] =	stream.indirect.scatter.add.f32 [tilespmem:s24], [sflag:$0x4], $0x80, s26, s29, $0xb8;
	[tilespmem:$0x1C200] =	vst v63  }
0x80: {  	s14 =	smov.u32 s13  }
0x81: {  	p1 =	sne.s32 s13, $0x9400;
	s13 =	sadd.s32 $0x400, s13;
	_ =	swait.ge [sflag:s2], $0x4000  }
0x82: {  	s15 =	sadd.s32 s14, s22;
	[sflag:s2] =	ssyncset.done $0x0  }
0x83: {  	s14 =	sadd.s32 s14, s23;
	s16 =	sadd.s32 $0x400, s15;
	[sflag:s2] =	ssyncadd.s32 $0xFFFFC000  }
0x84: {  	[tilespmem:s26], [sflag:$0x1] =	stream.linear.gather [hbm4b:s16+s4], $0x80, $0x38;
	[tilespmem:$0x1C200] =	vst v63  }
0x85: {  	s16 =	sadd.s32 $0x400, s14  }
0x86: {  	[tilespmem:s4], [sflag:$0x1] =	stream.linear.gather [hbm4b:s16+s4], $0x80, $0x38;
	[tilespmem:$0x1C200] =	vst v63  }
0x87: {  	_ =	swait.ge [sflag:s28], $0x80  }
0x88: {  	[sflag:s28] =	ssyncset.done $0x0  }
0x89: {  	[sflag:s28] =	ssyncadd.s32 $0xFFFFFF80  }
0x8a: {  	_ =	swait.ge [sflag:s28], $0x80  }
0x8b: {  	[sflag:s28] =	ssyncset.done $0x0  }
0x8c: {  	[sflag:s28] =	ssyncadd.s32 $0xFFFFFF80  }
0x8d: {  	[tilespmem:s24], [sflag:$0x2] =	stream.indirect.gather [hbm4b:s1+s29], $0x80, s4, s29, $0xb8;
	[tilespmem:$0x1C200] =	vst v63  }
0x8e: {  	_ =	swait.ge [sflag:s10], $0x4000  }
0x8f: {  	[sflag:s10] =	ssyncset.done $0x0  }
0x90: {  	[sflag:s10] =	ssyncadd.s32 $0xFFFFC000  }
0x91: {  	[spmem:s3] =	stream.indirect.scatter.add.f32 [tilespmem:s31], [sflag:$0x5], $0x80, s30, s29, $0xb8;
	[tilespmem:$0x1C200] =	vst v63  }
0x92: {  	_ =	swait.ge [sflag:s11], $0x4000  }
0x93: {  	[sflag:s11] =	ssyncset.done $0x0  }
0x94: {  	s15 =	sadd.s32 $0x600, s15;
	[sflag:s11] =	ssyncadd.s32 $0xFFFFC000  }
0x95: {  	[tilespmem:s30], [sflag:$0x1] =	stream.linear.gather [hbm4b:s15+s4], $0x80, $0x38;
	[tilespmem:$0x1C200] =	vst v63  }
0x96: {  	s14 =	sadd.s32 $0x600, s14  }
0x97: {  	[tilespmem:s29], [sflag:$0x1] =	stream.linear.gather [hbm4b:s14+s4], $0x80, $0x38;
	[tilespmem:$0x1C200] =	vst v63  }
0x98: {  	_ =	swait.ge [sflag:s28], $0x80  }
0x99: {  	[sflag:s28] =	ssyncset.done $0x0  }
0x9a: {  	[sflag:s28] =	ssyncadd.s32 $0xFFFFFF80  }
0x9b: {  	_ =	swait.ge [sflag:s28], $0x80  }
0x9c: {  	[sflag:s28] =	ssyncset.done $0x0  }
.Ltmp1:
0x9d: {  	[sflag:s28] =	ssyncadd.s32 $0xFFFFFF80;
	(pc) =	sbr.rel @p1 .LBB2_4-.Ltmp1, $4  }
0x9e: {  	[tilespmem:s31], [sflag:$0x3] =	stream.indirect.gather [hbm4b:s1+s29], $0x80, s29, s29, $0xb8;
	[tilespmem:$0x1C200] =	vst v63  }
0x9f: {  	_ =	swait.ge [sflag:s0], $0x4000  }
0xa0: {  	[sflag:s0] =	ssyncset.done $0x0  }
0xa1: {  	[sflag:s0] =	ssyncadd.s32 $0xFFFFC000  }
0xa2: {  	[spmem:s3] =	stream.indirect.scatter.add.f32 [tilespmem:s24], [sflag:$0x4], $0x80, s26, s29, $0xb8;
	[tilespmem:$0x1C200] =	vst v63  }
0xa3: {  	s13 =	simm.s32 @p0 $0x3  }
0xa4: {  	_ =	swait.ge @p0 [sflag:s13], $0x4000  }
0xa5: {  	s14 =	simm.s32 @p0 $0x180;
	[sflag:s13] =	ssyncset.done @p0 $0x0  }
0xa6: {  	s15 =	simm.s32 @p0 $0x4200;
	[sflag:s13] =	ssyncadd.s32 @p0 $0xFFFFC000;
	s13 =	simm.s32 @p0 $0x80  }
0xa7: {  	[spmem:s3] =	stream.indirect.scatter.add.f32 @p0 [tilespmem:s15], [sflag:$0x5], $0x80, s14, s13, $0xb8;
	[tilespmem:$0x1C200] =	vst v63  }
0xa8: {  	s13 =	simm.s32 @!p0 $0x4  }
0xa9: {  	_ =	swait.ge @!p0 [sflag:s13], $0x4000  }
0xaa: {  	[sflag:s13] =	ssyncset.done @!p0 $0x0  }
0xab: {  	s14 =	simm.s32 @!p0 $0x100;
	[sflag:s13] =	ssyncadd.s32 @!p0 $0xFFFFC000;
	s13 =	simm.s32 @!p0 $0x0  }
0xac: {  	[tilespmem:s14], [sflag:$0x1] =	stream.linear.gather @!p0 [hbm4b:s20+s13], $0x80, $0x38;
	[tilespmem:$0x1C200] =	vst v63  }
0xad: {  	s15 =	simm.s32 @!p0 $0x1  }
0xae: {  	[tilespmem:s13], [sflag:$0x1] =	stream.linear.gather @!p0 [hbm4b:s21+s13], $0x80, $0x38;
	[tilespmem:$0x1C200] =	vst v63  }
0xaf: {  	_ =	swait.ge @!p0 [sflag:s15], $0x80  }
0xb0: {  	[sflag:s15] =	ssyncset.done @!p0 $0x0  }
0xb1: {  	[sflag:s15] =	ssyncadd.s32 @!p0 $0xFFFFFF80  }
0xb2: {  	_ =	swait.ge @!p0 [sflag:s15], $0x80  }
0xb3: {  	[sflag:s15] =	ssyncset.done @!p0 $0x0  }
0xb4: {  	s16 =	simm.s32 @!p0 $0x200;
	[sflag:s15] =	ssyncadd.s32 @!p0 $0xFFFFFF80;
	s15 =	simm.s32 @!p0 $0x80  }
0xb5: {  	[tilespmem:s16], [sflag:$0x2] =	stream.indirect.gather @!p0 [hbm4b:s1+s15], $0x80, s13, s15, $0xb8;
	[tilespmem:$0x1C200] =	vst v63  }
0xb6: {  	s13 =	simm.s32 @!p0 $0x3  }
0xb7: {  	_ =	swait.ge @!p0 [sflag:s13], $0x4000  }
0xb8: {  	[sflag:s13] =	ssyncset.done @!p0 $0x0  }
0xb9: {  	s17 =	simm.s32 @!p0 $0x4200;
	[sflag:s13] =	ssyncadd.s32 @!p0 $0xFFFFC000;
	s13 =	simm.s32 @!p0 $0x180  }
0xba: {  	[spmem:s3] =	stream.indirect.scatter.add.f32 @!p0 [tilespmem:s17], [sflag:$0x5], $0x80, s13, s15, $0xb8;
	[tilespmem:$0x1C200] =	vst v63  }
0xbb: {  	s13 =	simm.s32 @!p0 $0x2  }
0xbc: {  	_ =	swait.ge @!p0 [sflag:s13], $0x4000  }
0xbd: {  	[sflag:s13] =	ssyncset.done @!p0 $0x0  }
0xbe: {  	[sflag:s13] =	ssyncadd.s32 @!p0 $0xFFFFC000  }
0xbf: {  	[spmem:s3] =	stream.indirect.scatter.add.f32 @!p0 [tilespmem:s16], [sflag:$0x4], $0x80, s14, s15, $0xb8;
	[tilespmem:$0x1C200] =	vst v63  }
0xc0: {  	_ =	swait.ge [sflag:s2], $0x4000  }
0xc1: {  	[sflag:s2] =	ssyncset.done $0x0  }
0xc2: {  	[sflag:s2] =	ssyncadd.s32 $0xFFFFC000  }
0xc3: {  	_ =	swait.ge [sflag:s11], $0x4000  }
0xc4: {  	[sflag:s11] =	ssyncset.done $0x0  }
0xc5: {  	s15 =	stileid.u32;
	[sflag:s11] =	ssyncadd.s32 $0xFFFFC000  }
0xc6: {  	s13 =	sshll.u32 s15, $0x6;
	[bflag:$0x0] =	sbarrier.arrive $0xFFFF  }
0xc7: {  	s16 =	sshrl.u32 s5, $0x3;
	s13 =	sor.u32 $0x1C06, s13;
	s17 =	rddreg [dreg:$0x5]  }
0xc8: {  	[hbm:s17], [sflag:s13] =	dma.local [spmem:s16], $0x800  }
0xc9: {  	_ =	swait.ge [sflag:s25], $0x800  }
0xca: {  	[sflag:s25] =	ssyncset.done $0x0  }
0xcb: {  	s16 =	sshrl.u32 s6, $0x3;
	s17 =	rddreg [dreg:$0x6];
	[sflag:s25] =	ssyncadd.s32 $0xFFFFF800  }
0xcc: {  	[hbm:s17], [sflag:s13] =	dma.local [spmem:s16], $0x800  }
0xcd: {  	_ =	swait.ge [sflag:s25], $0x800  }
0xce: {  	[sflag:s25] =	ssyncset.done $0x0  }
0xcf: {  	s16 =	sshrl.u32 s7, $0x3;
	s17 =	rddreg [dreg:$0x7];
	[sflag:s25] =	ssyncadd.s32 $0xFFFFF800  }
0xd0: {  	[hbm:s17], [sflag:s13] =	dma.local [spmem:s16], $0x800  }
0xd1: {  	_ =	swait.ge [sflag:s25], $0x800  }
0xd2: {  	[sflag:s25] =	ssyncset.done $0x0  }
0xd3: {  	s16 =	sshrl.u32 s8, $0x3;
	s17 =	rddreg [dreg:$0x8];
	[sflag:s25] =	ssyncadd.s32 $0xFFFFF800  }
0xd4: {  	[hbm:s17], [sflag:s13] =	dma.local [spmem:s16], $0x800  }
0xd5: {  	_ =	swait.ge [sflag:s25], $0x800  }
0xd6: {  	[sflag:s25] =	ssyncset.done $0x0  }
0xd7: {  	s15 =	sshrl.u32 s9, $0x3;
	s16 =	rddreg [dreg:$0x9];
	[sflag:s25] =	ssyncadd.s32 $0xFFFFF800  }
0xd8: {  	[hbm:s16], [sflag:s13] =	dma.local [spmem:s15], $0x800  }
0xd9: {  	_ =	swait.ge [sflag:s25], $0x800  }
0xda: {  	s12 =	sadd.s32 $0x1, s12;
	s17 =	rddreg [dreg:$0xa]  }
0xdb: {  	p1 =	sne.s32 s12, s17  }
.Ltmp2:
0xdc: {  	_ = 	snop;
	(pc) =	sbr.rel @p1 .LBB2_1-.Ltmp2, $3  }
0xdd: {  	_ =	sdelay $0x1  }
0xde: {  	[sflag:s25] =	ssyncset.done $0x0  }
0xdf: {  	[sflag:s25] =	ssyncadd.s32 $0xFFFFF800  }
0xe0: {  	_ =	sfence.sel $0x180000  }
0xe1: {  	[bflag:$0x0] =	sbarrier.arrive $0xFFFF  }
0xe2: {  	_ =	strace $0x9000004A  }
0xe3: {  	s0 =	stileid.u32;
	[bflag:$0x2] =	sbarrier.arrive $0xFFFF  }
0xe4: {  	p0 =	sne.s32 s0, $0x0;
	s0 =	rddreg [dreg:$0x4]  }
0xe5: {  	s0 =	sadd.s32 @!p0 $0x100000, s0  }
0xe6: {  	[sflag:s0] =	ssyncadd.tile.s32 @!p0 $0x1;
	_ =	shalt  }
.Lfunc_end2:
_tile_overlayer_lowered:
.L_overlay_start_2:
0xe7: {  	(tag) =	ssettag $0x2  }
0xe8: {  	s0 =	rddreg [dreg:$0x0];
	s2 =	stileid.u32  }
0xe9: {  	s1 =	rddreg [dreg:$0x1];
	p0 =	sne.s32 s2, $0x0  }
0xea: {  	s3 =	rddreg [dreg:$0x2];
	[bflag:$0x3] =	sbarrier.arrive $0xFFFF;
	s2 =	simm.s32 @!p0 $0x1C06  }
0xeb: {  	[timem:s3], [sflag:s2] =	dma.local @!p0 [hbm:s0], s1  }
0xec: {  	s0 =	simm.s32 @!p0 $0x6  }
0xed: {  	_ =	swait.ge @!p0 [sflag:s0], s1  }
0xee: {  	s1 =	ssub.s32 @!p0 $0x0, s1;
	[sflag:s0] =	ssyncset.done @!p0 $0x0  }
0xef: {  	[sflag:s0] =	ssyncadd.s32 @!p0 s1  }
0xf0: {  	[bflag:$0x3] =	sbarrier.arrive $0xFFFF  }
0xf1: {  	_ =	shalt  }

// kernel: kernel.9.cloned.1.call-start
scs
__scs_entry_jumppad:
0x0: {  	(pc) =	sbr.rel $0x88, $3  }
0x1: {  	(tag) =	ssettag $0x0;
	lr =	simm.s32 $0x1  }
0x2: {  	[smem:$0x3F9A] =	sst lr;
	_ =	strace $0xD0000000  }
0x3: {  	_ = 	snop  }
0x4: {  	_ = 	snop  }
0x5: {  	_ = 	snop  }
0x6: {  	_ = 	snop  }
0x7: {  	_ = 	snop  }
__scs_overlays_trampoline_lowered:
0x8: {  	[smem:$0x3FA9] =	sst s0  }
0x9: {  	[smem:$0x3FAA] =	sst s1  }
0xa: {  	[smem:$0x3FAB] =	sst s2  }
0xb: {  	[smem:$0x3FAC] =	sst s3  }
0xc: {  	[smem:$0x3FAD] =	sst s4  }
0xd: {  	[smem:$0x3FAE] =	sst s5  }
0xe: {  	[smem:$0x3FAF] =	sst s6  }
0xf: {  	[smem:$0x3FB0] =	sst s7  }
0x10: {  	[smem:$0x3FB1] =	sst s8  }
0x11: {  	[smem:$0x3FB2] =	sst s9;
	s0 =	simm.s32 @!p0 $0x0  }
0x12: {  	s1 =	sld [smem:$0x3F98];
	s0 =	simm.s32 @p0 $0x1  }
0x13: {  	[smem:$0x3FB3] =	sst s0;
	s0 =	simm.s32 @!p1 $0x0  }
0x14: {  	s2 =	sld [smem:$0x3F97];
	s0 =	simm.s32 @p1 $0x1  }
0x15: {  	[smem:$0x3FB4] =	sst s0;
	s0 =	simm.s32 @!p2 $0x0  }
0x16: {  	s3 =	sld [smem:$0x3FDB];
	s0 =	simm.s32 @p2 $0x1  }
0x17: {  	s4 =	simm.s32 $0x1BF5;
	[smem:$0x3FB6] =	sst s0  }
0x18: {  	s0 =	sld [smem:$0x3F99];
	_ =	swait.ge [sflag:s4], $0x0  }
0x19: {  	s7 =	sld [smem:$0x3F9A]  }
0x1a: {  	s8 =	sadd.s32 $0xFFFFE003, lr  }
0x1b: {  	s9 =	sadd.s32 $0xFFFFFEF7, lr;
	s5 =	simm.s32 $0xFFFFFFFF;
	p2 =	slt.u32 s8, $0xFFFFF086  }
0x1c: {  	p1 =	slt.u32 s9, $0xF7A;
	s5 =	simm.s32 @!p2 $0x0  }
0x1d: {  	s5 =	simm.s32 @p1 $0x1;
	p0 =	seq.s32 s7, s2  }
0x1e: {  	s7 =	smul.u32 @!p0 $0xF7A, s2;
	p2 =	seq.s32 @!p0 s5, $0x0  }
0x1f: {  	s9 =	smul.u32 $0xF7A, s1;
	s8 =	simm.s32 @!p0 $0x1BF5;
	p2 =	por !p2, p0  }
0x20: {  	[sflag:s8] =	ssyncset.s32 @!p0 $0xFFFFF086;
	s6 =	sadd.s32 @!p0 s3, s7;
	s7 =	simm.s32 @!p0 $0x108  }
0x21: {  	s3 =	sadd.s32 s3, s9;
	s6 =	sadd.s32 @!p0 $0x88, s6;
	s7 =	simm.s32 @p2 $0x1082  }
0x22: {  	[simem:s7], [sflag:s8] =	dma.local @!p0 [hbm:s6], $0xF7A  }
0x23: {  	s9 =	sor.u32 $0xD0000000, s2;
	s6 =	simm.s32 $0x108;
	_ =	swait.ge @!p0 [sflag:s8], $0x0  }
0x24: {  	s3 =	sadd.s32 $0x88, s3;
	s6 =	simm.s32 @!p1 $0x1082;
	[sflag:s4] =	ssyncset.s32 $0xFFFFF086  }
0x25: {  	[simem:s6], [sflag:s4] =	dma.local [hbm:s3], $0xF7A  }
0x26: {  	[smem:$0x3F9A] =	sst s1;
	(tag) =	ssettag s2;
	_ =	strace s9  }
0x27: {  	s1 =	sld [smem:$0x3FAA]  }
0x28: {  	s2 =	sld [smem:$0x3FAB]  }
0x29: {  	s4 =	sld [smem:$0x3FAD]  }
0x2a: {  	p0 =	seq.s32 s5, $0x0;
	s5 =	sld [smem:$0x3FAE]  }
0x2b: {  	s6 =	sld [smem:$0x3FAF]  }
0x2c: {  	s7 =	sld [smem:$0x3FB0]  }
0x2d: {  	s3 =	simm.s32 $0x108;
	s8 =	sld [smem:$0x3FB1]  }
0x2e: {  	s3 =	simm.s32 @!p0 $0x1082;
	s9 =	sld [smem:$0x3FB2]  }
0x2f: {  	lr =	sadd.s32 s0, s3;
	s0 =	sld [smem:$0x3FA9]  }
0x30: {  	s3 =	sld [smem:$0x3FAC]  }
0x31: {  	[smem:$0x3FB5] =	sst s10  }
0x32: {  	s10 =	sld [smem:$0x3FB3];
	_ =	sdelay $0x3  }
0x33: {  	p0 =	seq.s32 s10, $0x1;
	s10 =	sld [smem:$0x3FB5];
	_ =	sdelay $0x3  }
0x34: {  	[smem:$0x3FB5] =	sst s10  }
0x35: {  	s10 =	sld [smem:$0x3FB4];
	_ =	sdelay $0x3  }
0x36: {  	p1 =	seq.s32 s10, $0x1;
	s10 =	sld [smem:$0x3FB5];
	_ =	sdelay $0x3  }
0x37: {  	[smem:$0x3FB5] =	sst s10  }
0x38: {  	s10 =	sld [smem:$0x3FB6]  }
0x39: {  	_ = 	snop;
	(pc) =	sbr.ind lr, $3  }
0x3a: {  	_ = 	snop  }
0x3b: {  	_ = 	snop  }
0x3c: {  	p2 =	seq.s32 s10, $0x1;
	s10 =	sld [smem:$0x3FB5]  }
0x3d: {  	_ =	shalt  }
0x3e: {  	_ =	shalt  }
0x3f: {  	_ =	shalt  }
0x40: {  	_ =	shalt  }
0x41: {  	_ =	shalt  }
0x42: {  	_ =	shalt  }
0x43: {  	_ =	shalt  }
0x44: {  	_ =	shalt  }
0x45: {  	_ =	shalt  }
0x46: {  	_ =	shalt  }
0x47: {  	_ =	shalt  }
0x48: {  	_ =	shalt  }
0x49: {  	_ =	shalt  }
0x4a: {  	_ =	shalt  }
0x4b: {  	_ =	shalt  }
0x4c: {  	_ =	shalt  }
0x4d: {  	_ =	shalt  }
0x4e: {  	_ =	shalt  }
0x4f: {  	_ =	shalt  }
0x50: {  	_ =	shalt  }
0x51: {  	_ =	shalt  }
0x52: {  	_ =	shalt  }
0x53: {  	_ =	shalt  }
0x54: {  	_ =	shalt  }
0x55: {  	_ =	shalt  }
0x56: {  	_ =	shalt  }
0x57: {  	_ =	shalt  }
0x58: {  	_ =	shalt  }
0x59: {  	_ =	shalt  }
0x5a: {  	_ =	shalt  }
0x5b: {  	_ =	shalt  }
0x5c: {  	_ =	shalt  }
0x5d: {  	_ =	shalt  }
0x5e: {  	_ =	shalt  }
0x5f: {  	_ =	shalt  }
0x60: {  	_ =	shalt  }
0x61: {  	_ =	shalt  }
0x62: {  	_ =	shalt  }
0x63: {  	_ =	shalt  }
0x64: {  	_ =	shalt  }
0x65: {  	_ =	shalt  }
0x66: {  	_ =	shalt  }
0x67: {  	_ =	shalt  }
0x68: {  	_ =	shalt  }
0x69: {  	_ =	shalt  }
0x6a: {  	_ =	shalt  }
0x6b: {  	_ =	shalt  }
0x6c: {  	_ =	shalt  }
0x6d: {  	_ =	shalt  }
0x6e: {  	_ =	shalt  }
0x6f: {  	_ =	shalt  }
0x70: {  	_ =	shalt  }
0x71: {  	_ =	shalt  }
0x72: {  	_ =	shalt  }
0x73: {  	_ =	shalt  }
0x74: {  	_ =	shalt  }
0x75: {  	_ =	shalt  }
0x76: {  	_ =	shalt  }
0x77: {  	_ =	shalt  }
0x78: {  	_ =	shalt  }
0x79: {  	_ =	shalt  }
0x7a: {  	_ =	shalt  }
0x7b: {  	_ =	shalt  }
0x7c: {  	_ =	shalt  }
0x7d: {  	_ =	shalt  }
0x7e: {  	_ =	shalt  }
0x7f: {  	_ =	shalt  }
0x80: {  	_ =	shalt  }
0x81: {  	_ =	shalt  }
0x82: {  	_ =	shalt  }
0x83: {  	_ =	shalt  }
0x84: {  	_ =	shalt  }
0x85: {  	_ =	shalt  }
0x86: {  	_ =	shalt  }
0x87: {  	_ =	shalt  }
.Lfunc_end0:
.L_simem_size_0:
called_computation.1_lowered:
.L_overlay_start_0:
0x88: {  	s2 =	sld [smem:$0x3FD9]  }
0x89: {  	s3 =	sld [smem:$0x3FFE];
	_ =	sdelay $0x1  }
0x8a: {  	s1 =	srdreg.scid  }
0x8b: {  	s0 =	sand.u32 $0x1, s1  }
0x8c: {  	s14 =	sshll.u32 s0, $0xA;
	s2 =	sadd.s32 s3, s2  }
0x8d: {  	s2 =	sadd.s32 s2, s14  }
0x8e: {  	[smem:$0x3FC1] =	sst s2  }
0x8f: {  	_ = 	snop  }
0x90: {  	s2 =	sld [smem:$0x3FD0];
	_ =	sdelay $0x2  }
0x91: {  	s15 =	simm.s32 $0xB;
	s4 =	simm.s32 $0x10  }
0x92: {  	[smem:s4], [sflag:s15] =	dma.local [hbm:s2], $0x1  }
0x93: {  	_ =	swait.eq [sflag:s15], $0x1  }
0x94: {  	[sflag:s15] =	ssyncset.done $0x0  }
0x95: {  	s16 =	sld [smem:$0x10];
	[sflag:s15] =	ssyncadd.s32 $0xFFFFFFFF  }
0x96: {  	s17 =	sld [smem:$0x11];
	(tm) =	ssettm $0x1  }
0x97: {  	s18 =	sld [smem:$0x3FFB];
	_ =	sdelay $0x3  }
0x98: {  	_ =	strace s18  }
0x99: {  	s4 =	sld [smem:$0x3FFC];
	_ =	sdelay $0x3  }
0x9a: {  	_ =	strace s4  }
0x9b: {  	s4 =	sld [smem:$0x3FFD];
	_ =	sdelay $0x3  }
0x9c: {  	_ =	strace s4  }
0x9d: {  	_ =	strace $0x8FFFFFFF  }
0x9e: {  	s19 =	sld [smem:$0x3FDB];
	_ =	sdelay $0x1  }
0x9f: {  	s5 =	simm.s32 $_scs_section_size  }
0xa0: {  	s6 =	simm.s32 $_size__tile_overlayer_lowered;
	s7 =	simm.s32 $_tile_overlayer_lowered  }
0xa1: {  	s22 =	simm.s32 $0x1BFF;
	s21 =	sshll.u32 s7, $0x1;
	s4 =	sadd.s32 s5, s19  }
0xa2: {  	s8 =	simm.s32 $0x0;
	s20 =	sshll.u32 s6, $0x1;
	s6 =	sadd.s32 s21, s4  }
0xa3: {  	[timem:s8], [sflag:s22] =	dma.local [hbm:s6], s20  }
0xa4: {  	_ =	swait.ge [sflag:s22], s20  }
0xa5: {  	s5 =	ssub.s32 $0x0, s20;
	[sflag:s22] =	ssyncset.done $0x0  }
0xa6: {  	[sflag:s22] =	ssyncadd.s32 s5;
	_ =	sdelay $0x1  }
0xa7: {  	s23 =	simm.s32 $0x1B8B  }
0xa8: {  	_ =	swait.ge [sflag:s23], $0x1  }
0xa9: {  	[sflag:s23] =	ssyncset.done $0x0  }
0xaa: {  	s25 =	simm.s32 $0x1B8E;
	s24 =	sld [smem:$0x3FFE];
	[sflag:s23] =	ssyncadd.s32 $0xFFFFFFFF  }
0xab: {  	s26 =	simm.s32 $execute0_lowered;
	[smem:$0x3FD2] =	sst s25  }
0xac: {  	s6 =	sshll.u32 s26, $0x1;
	_ =	strace $0x80000046;
	[dreg:$0x1] =	wrdreg $0xFFFFFFFF  }
0xad: {  	s28 =	simm.s32 $_size_execute0_lowered;
	s4 =	sadd.s32 s4, s6;
	[dreg:$0x0] =	wrdreg $0x0  }
0xae: {  	s6 =	sshll.u32 s28, $0x1;
	[dreg:$0x2] =	wrdreg s4  }
0xaf: {  	[dreg:$0x3] =	wrdreg s6  }
0xb0: {  	[dreg:$0x4] =	wrdreg $0xC0  }
0xb1: {  	_ =	task [dreg:s8], $0x5FFFF  }
0xb2: {  	[dreg:$0x1] =	wrdreg $0xFFFFFFFF  }
0xb3: {  	[dreg:$0x0] =	wrdreg $0x60  }
0xb4: {  	[dreg:$0x2] =	wrdreg s17  }
0xb5: {  	[dreg:$0x3] =	wrdreg s16  }
0xb6: {  	[dreg:$0x4] =	wrdreg s24  }
0xb7: {  	[dreg:$0x5] =	wrdreg $0x81000  }
0xb8: {  	[dreg:$0x6] =	wrdreg $0xA  }
0xb9: {  	_ =	task.clear_ibuf [dreg:s8], $0x7FFFF;
	_ =	strace $0x90000046  }
0xba: {  	s29 =	simm.s32 $0xA;
	_ =	strace $0x80000048  }
0xbb: {  	_ =	swait.ge [sflag:s29], $0x1  }
0xbc: {  	[sflag:s29] =	ssyncadd.s32 $0xFFFFFFFF  }
0xbd: {  	_ =	strace $0x90000048  }
0xbe: {  	_ =	sfence  }
0xbf: {  	s30 =	sld [smem:$0x0];
	_ =	sdelay $0x2  }
0xc0: {  	s31 =	sshll.u32 s1, $0xD;
	s1 =	sshrl.u32 s1, $0x2  }
0xc1: {  	s3 =	sand.u32 $0x4000, s31;
	s1 =	sadd.s32 s1, s30  }
0xc2: {  	s0 =	sor.u32 s3, s0;
	s1 =	sshll.u32 s1, $0x11  }
0xc3: {  	s0 =	sor.u32 s1, s0  }
0xc4: {  	s0 =	sadd.s32 $0x8F2B, s0  }
0xc5: {  	[sflag:s0] =	ssyncadd.remote.s32 $0x1  }
0xc6: {  	_ =	sfence.sel $0xFFFF  }
0xc7: {  	[dreg:$0x0] =	wrdreg $0xFFFFFFFF;
	(pc) =	sbr.abs _section_cstart, $3  }
0xc8: {  	[dreg:$0x1] =	wrdreg $0xFFFFFFFF  }
0xc9: {  	_ =	task.clear_ibuf [dreg:s8], $0x2FFFF;
	_ =	strace $0x9FFFFFFF  }
0xca: {  	(tm) =	ssettm $0x7FFFFFFF  }
0xcb: {  	_ =	shalt  }
tec
execute0_lowered:
.L_overlay_start_1:
0x0: {  	(tag) =	ssettag $0x1  }
0x1: {  	s0 =	rddreg [dreg:$0x0]  }
0x2: {  	s1 =	rddreg [dreg:$0x1]  }
0x3: {  	s2 =	rddreg [dreg:$0x2]  }
0x4: {  	s3 =	rddreg [dreg:$0x3]  }
0x5: {  	s4 =	srdreg.scid;
	s26 =	stileid.u32;
	s28 =	simm.s32 $0x80  }
0x6: {  	s29 =	simm.s32 $0x4100;
	s30 =	simm.s32 $0x1;
	s31 =	simm.s32 $0x3  }
0x7: {  	s10 =	sand.u32 $0x1, s4;
	s4 =	simm.s32 $0x0;
	s6 =	smul.u32 $0x50000, s26  }
0x8: {  	s11 =	smul.u32 $0x14000, s26;
	s2 =	sadd.s32 $0xAA00, s2;
	s18 =	sshll.u32 s26, $0x8  }
0x9: {  	p0 =	sgt.u32 s26, $0x1;
	s5 =	ssub.s32 $0x2, s10;
	[smem:$0x7FF] =	sst s4  }
0xa: {  	s17 =	smul.u32 $0x140000, s10;
	s19 =	sshll.u32 s10, $0x7;
	s10 =	sshll.u32 s10, $0xB  }
0xb: {  	s7 =	sshrl.u32 s5, $0x1;
	_ =	strace $0x80000047;
	s9 =	sshrl.u32 s6, $0x2  }
0xc: {  	s13 =	sadd.s32 $0x4000, s11;
	s14 =	sadd.s32 $0x8000, s11;
	s15 =	sadd.s32 $0xC000, s11  }
0xd: {  	s16 =	sadd.s32 $0x10000, s11;
	s23 =	sor.u32 s19, s18;
	s12 =	ssub.s32 s5, s7  }
0xe: {  	s5 =	sadd.s32 s9, s3;
	s6 =	sadd.s32 s13, s3;
	s7 =	sadd.s32 s14, s3  }
0xf: {  	s8 =	sadd.s32 s15, s3;
	s9 =	sadd.s32 s16, s3;
	s11 =	sadd.s32 s11, s17  }
0x10: {  	s13 =	sadd.s32 s17, s13;
	s14 =	sadd.s32 s17, s14;
	s15 =	sadd.s32 s17, s15  }
0x11: {  	s18 =	sadd.s32 s17, s16;
	s22 =	sshrl.u32 s23, $0x3;
	s24 =	sshll.u32 s23, $0x4  }
0x12: {  	s25 =	sor.u32 $0x1000, s23;
	s11 =	sshrl.u32 s11, $0x3;
	s13 =	sshrl.u32 s13, $0x3  }
0x13: {  	s19 =	sshrl.u32 s15, $0x3;
	s20 =	sshrl.u32 s18, $0x3;
	s21 =	smax.u32 s12, $0x1  }
0x14: {  	s16 =	sadd.s32 s1, s22;
	s17 =	sadd.s32 s0, s24;
	s15 =	sor.u32 $0x4E000, s23  }
0x15: {  	s24 =	sor.u32 $0x3000, s23;
	s11 =	sadd.s32 s2, s11;
	[dreg:$0xa] =	wrdreg s21  }
0x16: {  	s23 =	sor.u32 $0x2000, s23;
	s13 =	sadd.s32 s2, s13;
	[dreg:$0x5] =	wrdreg s11  }
0x17: {  	s21 =	sshll.u32 s26, $0xC;
	s26 =	simm.s32 $0x5;
	[dreg:$0x6] =	wrdreg s13  }
0x18: {  	s11 =	sshrl.u32 s14, $0x3;
	s13 =	sshrl.u32 s25, $0x3;
	s14 =	sshll.u32 s25, $0x4  }
0x19: {  	s22 =	sadd.s32 s21, s0;
	s25 =	sshrl.u32 s24, $0x3;
	s11 =	sadd.s32 s2, s11  }
0x1a: {  	s18 =	sadd.s32 s1, s13;
	s24 =	sadd.s32 s25, s1;
	s25 =	simm.s32 $0x100  }
0x1b: {  	[dreg:$0x7] =	wrdreg s11;
	s11 =	sadd.s32 s2, s19;
	s2 =	sadd.s32 s2, s20  }
0x1c: {  	s19 =	sadd.s32 s0, s14;
	s20 =	sshrl.u32 s15, $0x3;
	[dreg:$0x8] =	wrdreg s11  }
0x1d: {  	[dreg:$0x9] =	wrdreg s2;
	s20 =	sadd.s32 s1, s20;
	s11 =	sshll.u32 s15, $0x4  }
0x1e: {  	s2 =	sadd.s32 s10, s22;
	s10 =	simm.s32 $0x0;
	s21 =	sadd.s32 s0, s11  }
0x1f: {  	v0 =	vimm.f32 $0.0e+00;
	s22 =	sadd.s32 $0x20000, s2;
	s0 =	simm.s32 $0x2;
	s2 =	simm.s32 $0x4  }
.LBB2_1:
0x20: {  	s11 =	simm.s32 $0x0;
	s12 =	simm.s32 $0x200  }
.LBB2_2:
0x21: {  	p1 =	sne.s32 s12, $0xFE00;
	[tilespmem:s11+$0x170] =	vst v0  }
0x22: {  	[tilespmem:s11+$0x100] =	vst v0  }
0x23: {  	[tilespmem:s11+$0x110] =	vst v0  }
.Ltmp0:
0x24: {  	[tilespmem:s11+$0x120] =	vst v0;
	(pc) =	sbr.rel @p1 .LBB2_2-.Ltmp0, $4  }
0x25: {  	[tilespmem:s11+$0x130] =	vst v0  }
0x26: {  	[tilespmem:s11+$0x140] =	vst v0  }
0x27: {  	[tilespmem:s11+$0x150] =	vst v0  }
0x28: {  	[tilespmem:s11+$0x160] =	vst v0;
	s11 =	sshra.s32 s12, $0x2;
	s12 =	sadd.s32 $0x200, s12  }
0x29: {  	[tilespmem:s11+$0x170] =	vst v0  }
0x2a: {  	[tilespmem:s11+$0x100] =	vst v0  }
0x2b: {  	[tilespmem:s11+$0x110] =	vst v0  }
0x2c: {  	[tilespmem:s11+$0x120] =	vst v0  }
0x2d: {  	[tilespmem:s11+$0x130] =	vst v0  }
0x2e: {  	[tilespmem:s11+$0x140] =	vst v0  }
0x2f: {  	[tilespmem:s11+$0x150] =	vst v0  }
0x30: {  	[tilespmem:s11+$0x160] =	vst v0  }
0x31: {  	[spmem:s5] =	stream.linear.scatter [tilespmem:s25], [sflag:$0x5], $0x4000, $0x38;
	[tilespmem:$0x1C100] =	vst v63  }
0x32: {  	_ =	swait.ge [sflag:s26], $0x4000  }
0x33: {  	[sflag:s26] =	ssyncset.done $0x0  }
0x34: {  	[sflag:s26] =	ssyncadd.s32 $0xFFFFC000  }
0x35: {  	[spmem:s6] =	stream.linear.scatter [tilespmem:s25], [sflag:$0x5], $0x4000, $0x38;
	[tilespmem:$0x1C100] =	vst v63  }
0x36: {  	_ =	swait.ge [sflag:s26], $0x4000  }
0x37: {  	[sflag:s26] =	ssyncset.done $0x0  }
0x38: {  	[sflag:s26] =	ssyncadd.s32 $0xFFFFC000  }
0x39: {  	[spmem:s7] =	stream.linear.scatter [tilespmem:s25], [sflag:$0x5], $0x4000, $0x38;
	[tilespmem:$0x1C100] =	vst v63  }
0x3a: {  	_ =	swait.ge [sflag:s26], $0x4000  }
0x3b: {  	[sflag:s26] =	ssyncset.done $0x0  }
0x3c: {  	[sflag:s26] =	ssyncadd.s32 $0xFFFFC000  }
0x3d: {  	[spmem:s8] =	stream.linear.scatter [tilespmem:s25], [sflag:$0x5], $0x4000, $0x38;
	[tilespmem:$0x1C100] =	vst v63  }
0x3e: {  	_ =	swait.ge [sflag:s26], $0x4000  }
0x3f: {  	[sflag:s26] =	ssyncset.done $0x0  }
0x40: {  	[sflag:s26] =	ssyncadd.s32 $0xFFFFC000  }
0x41: {  	[spmem:s9] =	stream.linear.scatter [tilespmem:s25], [sflag:$0x5], $0x4000, $0x38;
	[tilespmem:$0x1C100] =	vst v63  }
0x42: {  	_ =	swait.ge [sflag:s26], $0x4000  }
0x43: {  	[sflag:s26] =	ssyncset.done $0x0  }
0x44: {  	[sflag:s26] =	ssyncadd.s32 $0xFFFFC000  }
0x45: {  	s12 =	simm.s32 $0x0;
	[bflag:$0x0] =	sbarrier.arrive $0xFFFF  }
0x46: {  	[tilespmem:s12], [sflag:$0x5] =	stream.linear.gather [hbm4b:s16+s12], $0x80, $0x38;
	[tilespmem:$0x1C100] =	vst v63  }
0x47: {  	_ =	swait.ge [sflag:s26], $0x80  }
0x48: {  	[sflag:s26] =	ssyncset.done $0x0  }
0x49: {  	[sflag:s26] =	ssyncadd.s32 $0xFFFFFF80  }
0x4a: {  	[tilespmem:s25], [sflag:$0x1] =	stream.linear.gather [hbm4b:s17+s12], $0x4000, $0x38;
	[tilespmem:$0x1C100] =	vst v63  }
0x4b: {  	_ = 	snop  }
0x4c: {  	[tilespmem:s28], [sflag:$0x5] =	stream.linear.gather [hbm4b:s18+s12], $0x80, $0x38;
	[tilespmem:$0x1C100] =	vst v63  }
0x4d: {  	_ =	swait.ge [sflag:s26], $0x80  }
0x4e: {  	[sflag:s26] =	ssyncset.done $0x0  }
0x4f: {  	[sflag:s26] =	ssyncadd.s32 $0xFFFFFF80  }
0x50: {  	[tilespmem:s29], [sflag:$0x2] =	stream.linear.gather [hbm4b:s19+s12], $0x4000, $0x38;
	[tilespmem:$0x1C100] =	vst v63  }
0x51: {  	_ =	swait.ge [sflag:s30], $0x4000  }
0x52: {  	[sflag:s30] =	ssyncset.done $0x0  }
0x53: {  	[sflag:s30] =	ssyncadd.s32 $0xFFFFC000  }
0x54: {  	[spmem:s3] =	stream.indirect.scatter.add.f32 [tilespmem:s25], [sflag:$0x3], $0x80, s12, s28, $0xb8;
	[tilespmem:$0x1C100] =	vst v63  }
0x55: {  	_ =	swait.ge [sflag:s31], $0x4000  }
0x56: {  	s13 =	sshrl.u32 s23, $0x3;
	[sflag:s31] =	ssyncset.done $0x0  }
0x57: {  	s11 =	sadd.s32 s1, s13;
	[sflag:s31] =	ssyncadd.s32 $0xFFFFC000  }
0x58: {  	[tilespmem:s4], [sflag:$0x5] =	stream.linear.gather [hbm4b:s11+s4], $0x80, $0x38;
	[tilespmem:$0x1C100] =	vst v63  }
0x59: {  	_ =	swait.ge [sflag:s26], $0x80  }
0x5a: {  	[sflag:s26] =	ssyncset.done $0x0  }
0x5b: {  	[sflag:s26] =	ssyncadd.s32 $0xFFFFFF80  }
0x5c: {  	[tilespmem:s25], [sflag:$0x1] =	stream.linear.gather [hbm4b:s22+s4], $0x4000, $0x38;
	[tilespmem:$0x1C100] =	vst v63  }
0x5d: {  	_ =	swait.ge [sflag:s0], $0x4000  }
0x5e: {  	[sflag:s0] =	ssyncset.done $0x0  }
0x5f: {  	[sflag:s0] =	ssyncadd.s32 $0xFFFFC000  }
0x60: {  	[spmem:s3] =	stream.indirect.scatter.add.f32 [tilespmem:s29], [sflag:$0x4], $0x80, s28, s28, $0xb8;
	[tilespmem:$0x1C100] =	vst v63  }
0x61: {  	_ =	swait.ge [sflag:s2], $0x4000  }
0x62: {  	[sflag:s2] =	ssyncset.done $0x0  }
0x63: {  	s14 =	sadd.s32 $0x0, s24;
	[sflag:s2] =	ssyncadd.s32 $0xFFFFC000  }
0x64: {  	[tilespmem:s28], [sflag:$0x5] =	stream.linear.gather [hbm4b:s14+s4], $0x80, $0x38;
	[tilespmem:$0x1C100] =	vst v63  }
0x65: {  	_ =	swait.ge [sflag:s26], $0x80  }
0x66: {  	[sflag:s26] =	ssyncset.done $0x0  }
0x67: {  	s15 =	sadd.s32 $0x10000, s22;
	[sflag:s26] =	ssyncadd.s32 $0xFFFFFF80  }
0x68: {  	[tilespmem:s29], [sflag:$0x2] =	stream.linear.gather [hbm4b:s15+s4], $0x4000, $0x38;
	[tilespmem:$0x1C100] =	vst v63  }
0x69: {  	_ =	swait.ge [sflag:s30], $0x4000  }
0x6a: {  	s13 =	sadd.s32 $0x2000, s23;
	[sflag:s30] =	ssyncset.done $0x0  }
0x6b: {  	s12 =	sadd.s32 $0x20000, s22;
	s11 =	simm.s32 $0x400;
	[sflag:s30] =	ssyncadd.s32 $0xFFFFC000  }
.LBB2_4:
0x6c: {  	[spmem:s3] =	stream.indirect.scatter.add.f32 [tilespmem:s25], [sflag:$0x3], $0x80, s4, s28, $0xb8;
	[tilespmem:$0x1C100] =	vst v63  }
0x6d: {  	s14 =	smov.u32 s11  }
0x6e: {  	p1 =	sne.s32 s11, $0x9400;
	s11 =	sadd.s32 $0x400, s11;
	_ =	swait.ge [sflag:s31], $0x4000  }
0x6f: {  	s15 =	sshrl.u32 s13, $0x3;
	[sflag:s31] =	ssyncset.done $0x0  }
0x70: {  	s15 =	sadd.s32 s1, s15;
	[sflag:s31] =	ssyncadd.s32 $0xFFFFC000  }
0x71: {  	[tilespmem:s4], [sflag:$0x5] =	stream.linear.gather [hbm4b:s15+s4], $0x80, $0x38;
	[tilespmem:$0x1C100] =	vst v63  }
0x72: {  	_ =	swait.ge [sflag:s26], $0x80  }
0x73: {  	[sflag:s26] =	ssyncset.done $0x0  }
0x74: {  	[sflag:s26] =	ssyncadd.s32 $0xFFFFFF80  }
0x75: {  	[tilespmem:s25], [sflag:$0x1] =	stream.linear.gather [hbm4b:s12+s4], $0x4000, $0x38;
	[tilespmem:$0x1C100] =	vst v63  }
0x76: {  	_ =	swait.ge [sflag:s0], $0x4000  }
0x77: {  	[sflag:s0] =	ssyncset.done $0x0  }
0x78: {  	[sflag:s0] =	ssyncadd.s32 $0xFFFFC000  }
0x79: {  	[spmem:s3] =	stream.indirect.scatter.add.f32 [tilespmem:s29], [sflag:$0x4], $0x80, s28, s28, $0xb8;
	[tilespmem:$0x1C100] =	vst v63  }
0x7a: {  	_ =	swait.ge [sflag:s2], $0x4000  }
0x7b: {  	[sflag:s2] =	ssyncset.done $0x0  }
0x7c: {  	s14 =	sadd.s32 s14, s24;
	[sflag:s2] =	ssyncadd.s32 $0xFFFFC000  }
0x7d: {  	[tilespmem:s28], [sflag:$0x5] =	stream.linear.gather [hbm4b:s14+s4], $0x80, $0x38;
	[tilespmem:$0x1C100] =	vst v63  }
0x7e: {  	_ =	swait.ge [sflag:s26], $0x80  }
0x7f: {  	[sflag:s26] =	ssyncset.done $0x0  }
.Ltmp1:
0x80: {  	s14 =	sadd.s32 $0x10000, s12;
	[sflag:s26] =	ssyncadd.s32 $0xFFFFFF80;
	(pc) =	sbr.rel @p1 .LBB2_4-.Ltmp1, $4  }
0x81: {  	[tilespmem:s29], [sflag:$0x2] =	stream.linear.gather [hbm4b:s14+s4], $0x4000, $0x38;
	[tilespmem:$0x1C100] =	vst v63  }
0x82: {  	_ =	swait.ge [sflag:s30], $0x4000  }
0x83: {  	[sflag:s30] =	ssyncset.done $0x0  }
0x84: {  	s13 =	sadd.s32 $0x2000, s13;
	s12 =	sadd.s32 $0x20000, s12;
	[sflag:s30] =	ssyncadd.s32 $0xFFFFC000  }
0x85: {  	[spmem:s3] =	stream.indirect.scatter.add.f32 [tilespmem:s25], [sflag:$0x3], $0x80, s4, s28, $0xb8;
	[tilespmem:$0x1C100] =	vst v63  }
0x86: {  	s11 =	simm.s32 @p0 $0x2  }
0x87: {  	_ =	swait.ge @p0 [sflag:s11], $0x4000  }
0x88: {  	[sflag:s11] =	ssyncset.done @p0 $0x0  }
0x89: {  	s12 =	simm.s32 @p0 $0x4100;
	[sflag:s11] =	ssyncadd.s32 @p0 $0xFFFFC000;
	s11 =	simm.s32 @p0 $0x80  }
0x8a: {  	[spmem:s3] =	stream.indirect.scatter.add.f32 @p0 [tilespmem:s12], [sflag:$0x4], $0x80, s11, s11, $0xb8;
	[tilespmem:$0x1C100] =	vst v63  }
0x8b: {  	s11 =	simm.s32 @!p0 $0x3  }
0x8c: {  	_ =	swait.ge @!p0 [sflag:s11], $0x4000  }
0x8d: {  	[sflag:s11] =	ssyncset.done @!p0 $0x0  }
0x8e: {  	s12 =	simm.s32 @!p0 $0x5;
	[sflag:s11] =	ssyncadd.s32 @!p0 $0xFFFFC000;
	s11 =	simm.s32 @!p0 $0x0  }
0x8f: {  	[tilespmem:s11], [sflag:$0x5] =	stream.linear.gather @!p0 [hbm4b:s20+s11], $0x80, $0x38;
	[tilespmem:$0x1C100] =	vst v63  }
0x90: {  	_ =	swait.ge @!p0 [sflag:s12], $0x80  }
0x91: {  	[sflag:s12] =	ssyncset.done @!p0 $0x0  }
0x92: {  	s13 =	simm.s32 @!p0 $0x2;
	[sflag:s12] =	ssyncadd.s32 @!p0 $0xFFFFFF80;
	s12 =	simm.s32 @!p0 $0x100  }
0x93: {  	[tilespmem:s12], [sflag:$0x1] =	stream.linear.gather @!p0 [hbm4b:s21+s11], $0x4000, $0x38;
	[tilespmem:$0x1C100] =	vst v63  }
0x94: {  	_ =	swait.ge @!p0 [sflag:s13], $0x4000  }
0x95: {  	[sflag:s13] =	ssyncset.done @!p0 $0x0  }
0x96: {  	s14 =	simm.s32 @!p0 $0x4100;
	[sflag:s13] =	ssyncadd.s32 @!p0 $0xFFFFC000;
	s13 =	simm.s32 @!p0 $0x80  }
0x97: {  	[spmem:s3] =	stream.indirect.scatter.add.f32 @!p0 [tilespmem:s14], [sflag:$0x4], $0x80, s13, s13, $0xb8;
	[tilespmem:$0x1C100] =	vst v63  }
0x98: {  	s14 =	simm.s32 @!p0 $0x1  }
0x99: {  	_ =	swait.ge @!p0 [sflag:s14], $0x4000  }
0x9a: {  	[sflag:s14] =	ssyncset.done @!p0 $0x0  }
0x9b: {  	[sflag:s14] =	ssyncadd.s32 @!p0 $0xFFFFC000  }
0x9c: {  	[spmem:s3] =	stream.indirect.scatter.add.f32 @!p0 [tilespmem:s12], [sflag:$0x3], $0x80, s11, s13, $0xb8;
	[tilespmem:$0x1C100] =	vst v63  }
0x9d: {  	_ =	swait.ge [sflag:s31], $0x4000  }
0x9e: {  	[sflag:s31] =	ssyncset.done $0x0  }
0x9f: {  	[sflag:s31] =	ssyncadd.s32 $0xFFFFC000  }
0xa0: {  	_ =	swait.ge [sflag:s2], $0x4000  }
0xa1: {  	[sflag:s2] =	ssyncset.done $0x0  }
0xa2: {  	s13 =	stileid.u32;
	[sflag:s2] =	ssyncadd.s32 $0xFFFFC000  }
0xa3: {  	s11 =	sshll.u32 s13, $0x6;
	[bflag:$0x0] =	sbarrier.arrive $0xFFFF  }
0xa4: {  	s14 =	sshrl.u32 s5, $0x3;
	s11 =	sor.u32 $0x1C05, s11;
	s15 =	rddreg [dreg:$0x5]  }
0xa5: {  	[hbm:s15], [sflag:s11] =	dma.local [spmem:s14], $0x800  }
0xa6: {  	_ =	swait.ge [sflag:s26], $0x800  }
0xa7: {  	[sflag:s26] =	ssyncset.done $0x0  }
0xa8: {  	s14 =	sshrl.u32 s6, $0x3;
	s15 =	rddreg [dreg:$0x6];
	[sflag:s26] =	ssyncadd.s32 $0xFFFFF800  }
0xa9: {  	[hbm:s15], [sflag:s11] =	dma.local [spmem:s14], $0x800  }
0xaa: {  	_ =	swait.ge [sflag:s26], $0x800  }
0xab: {  	[sflag:s26] =	ssyncset.done $0x0  }
0xac: {  	s14 =	sshrl.u32 s7, $0x3;
	s15 =	rddreg [dreg:$0x7];
	[sflag:s26] =	ssyncadd.s32 $0xFFFFF800  }
0xad: {  	[hbm:s15], [sflag:s11] =	dma.local [spmem:s14], $0x800  }
0xae: {  	_ =	swait.ge [sflag:s26], $0x800  }
0xaf: {  	[sflag:s26] =	ssyncset.done $0x0  }
0xb0: {  	s14 =	sshrl.u32 s8, $0x3;
	s15 =	rddreg [dreg:$0x8];
	[sflag:s26] =	ssyncadd.s32 $0xFFFFF800  }
0xb1: {  	[hbm:s15], [sflag:s11] =	dma.local [spmem:s14], $0x800  }
0xb2: {  	_ =	swait.ge [sflag:s26], $0x800  }
0xb3: {  	[sflag:s26] =	ssyncset.done $0x0  }
0xb4: {  	s13 =	sshrl.u32 s9, $0x3;
	s14 =	rddreg [dreg:$0x9];
	[sflag:s26] =	ssyncadd.s32 $0xFFFFF800  }
0xb5: {  	[hbm:s14], [sflag:s11] =	dma.local [spmem:s13], $0x800  }
0xb6: {  	_ =	swait.ge [sflag:s26], $0x800  }
0xb7: {  	s10 =	sadd.s32 $0x1, s10;
	s15 =	rddreg [dreg:$0xa]  }
0xb8: {  	p1 =	sne.s32 s10, s15  }
.Ltmp2:
0xb9: {  	_ = 	snop;
	(pc) =	sbr.rel @p1 .LBB2_1-.Ltmp2, $3  }
0xba: {  	_ =	sdelay $0x1  }
0xbb: {  	[sflag:s26] =	ssyncset.done $0x0  }
0xbc: {  	[sflag:s26] =	ssyncadd.s32 $0xFFFFF800  }
0xbd: {  	_ =	sfence.sel $0x180000  }
0xbe: {  	[bflag:$0x0] =	sbarrier.arrive $0xFFFF  }
0xbf: {  	_ =	strace $0x90000047  }
0xc0: {  	s0 =	stileid.u32;
	[bflag:$0x2] =	sbarrier.arrive $0xFFFF  }
0xc1: {  	p0 =	sne.s32 s0, $0x0;
	s0 =	rddreg [dreg:$0x4]  }
0xc2: {  	s0 =	sadd.s32 @!p0 $0x100000, s0  }
0xc3: {  	[sflag:s0] =	ssyncadd.tile.s32 @!p0 $0x1;
	_ =	shalt  }
.Lfunc_end2:
_tile_overlayer_lowered:
.L_overlay_start_2:
0xc4: {  	(tag) =	ssettag $0x2  }
0xc5: {  	s0 =	rddreg [dreg:$0x0];
	s2 =	stileid.u32  }
0xc6: {  	s1 =	rddreg [dreg:$0x1];
	p0 =	sne.s32 s2, $0x0  }
0xc7: {  	s3 =	rddreg [dreg:$0x2];
	[bflag:$0x3] =	sbarrier.arrive $0xFFFF;
	s2 =	simm.s32 @!p0 $0x1C05  }
0xc8: {  	[timem:s3], [sflag:s2] =	dma.local @!p0 [hbm:s0], s1  }
0xc9: {  	s0 =	simm.s32 @!p0 $0x5  }
0xca: {  	_ =	swait.ge @!p0 [sflag:s0], s1  }
0xcb: {  	s1 =	ssub.s32 @!p0 $0x0, s1;
	[sflag:s0] =	ssyncset.done @!p0 $0x0  }
0xcc: {  	[sflag:s0] =	ssyncadd.s32 @!p0 s1  }
0xcd: {  	[bflag:$0x3] =	sbarrier.arrive $0xFFFF  }
0xce: {  	_ =	shalt  }

</sc_bundles>
